<compile_context>
chip_gen: v7x
topology: tpu7x:2x2x1
jax: 0.10.2.dev20260603
libtpu: 0.0.44.dev20260713+nightly
codegen_flags: <defaults>
</compile_context>

<pallas_src>
import functools

import jax
import jax.numpy as jnp
from jax import lax
from jax.experimental import pallas as pl
from jax.experimental.pallas import tpu as pltpu
from jax.experimental.pallas import tpu_sc as plsc

_B = 16384
_D = 64
_NC = 2
_NS = 16
_NW = _NC * _NS
_BPW = _B // _NW
_CH = 16
_NG = _BPW // _CH

_mesh = plsc.VectorSubcoreMesh(core_axis_name="c", subcore_axis_name="s")


@functools.partial(
    pl.kernel,
    mesh=_mesh,
    out_type=jax.ShapeDtypeStruct((_B, _D), jnp.float32),
    scratch_types=[
        pltpu.VMEM((_BPW,), jnp.int32),
        pltpu.VMEM((_BPW, _D), jnp.float32),
        pltpu.SemaphoreType.DMA((2,)),
    ],
)
def _embed_lookup(table_hbm, idx_hbm, out_hbm, idx_v, rows_v, sems):
    wid = lax.axis_index("s") * _NC + lax.axis_index("c")
    base = wid * _BPW
    pltpu.sync_copy(idx_hbm.at[wid], idx_v)

    @pl.loop(0, _NG + 1)
    def _pipeline(g):
        @pl.when(g < _NG)
        def _fire():
            vec = idx_v[pl.ds(g * _CH, _CH)]
            for j in range(_CH):
                row = vec[j]
                pltpu.async_copy(
                    table_hbm.at[pl.ds(row, 1)],
                    rows_v.at[pl.ds(g * _CH + j, 1)],
                    sems.at[lax.rem(g, 2)],
                )

        @pl.when(g > 0)
        def _drain_prev():
            for _ in range(_CH):
                pltpu.make_async_copy(
                    table_hbm.at[pl.ds(0, 1)],
                    rows_v.at[pl.ds(0, 1)],
                    sems.at[lax.rem(g - 1, 2)],
                ).wait()

    pltpu.sync_copy(rows_v, out_hbm.at[pl.ds(base, _BPW)])


@jax.jit
def kernel(labels, embedding_table):
    idx = labels.reshape(_NW, _BPW)
    return _embed_lookup(embedding_table, idx)

# --- scband reference (transcript-rebuilt; emitter-appended) ---
"""Pipeline reference for scband-label-embed-1494648619029 (READ-ONLY COPY).

The authoritative reference and input builder live on the scoring server;
editing this copy changes nothing except your own understanding.
"""

import jax, jax.numpy as jnp
import numpy as np

NUM_CLASSES = 1000000
HIDDEN_SIZE = 64
BATCH = 16384

def setup_inputs(seed: int = 0) -> dict:
    key = jax.random.key(seed)
    k_lab, k_tab = jax.random.split(key)
    labels = jax.random.randint(k_lab, (BATCH,), 0, NUM_CLASSES, dtype=jnp.int32)
    # nn.Embed(num_embeddings=num_classes + 1, features=hidden_size, init=normal(0.02))
    embedding_table = jax.random.normal(k_tab, (NUM_CLASSES + 1, HIDDEN_SIZE), dtype=jnp.float32) * 0.02
    return {"labels": labels, "embedding_table": embedding_table}

def reference(labels, embedding_table):
    # Faithful translation of LabelEmbed.__call__: a plain embedding gather.
    embeddings = jnp.take(embedding_table, labels, axis=0)
    return embeddings

if __name__ == "__main__":
    import jax
    _d = setup_inputs()
    print(jax.jit(kernel)(*tuple(_d.values())))

</pallas_src>

<mosaic_0001>
#map = affine_map<(d0, d1) -> (0, 0)>
module attributes {stable_mosaic.version = 14 : i64} {
  func.func @_embed_lookup(%arg0: i32, %arg1: i32, %arg2: memref<1000001x64xf32, #tpu.memory_space<hbm>>, %arg3: memref<32x512xi32, #tpu.memory_space<hbm>>, %arg4: memref<16384x64xf32, #tpu.memory_space<hbm>>, %arg5: memref<512xi32, #tpu.memory_space<vmem>>, %arg6: memref<512x64xf32, #tpu.memory_space<vmem>>, %arg7: memref<2x!tpu.dma_semaphore, #tpu.memory_space<semaphore_mem>>) attributes {dimension_semantics = [#tpu.dimension_semantics<core_parallel>, #tpu.dimension_semantics<subcore_parallel>], iteration_bounds = array<i64: 2, 16>, scalar_prefetch = 0 : i64, scratch_operands = 3 : i64, tpu.core_type = #tpu.core_type<sc_vector_subcore>, window_params = [{transform_indices = #map}, {transform_indices = #map}, {transform_indices = #map}]} {
    %mul3A = arith.constant 2 : i32
    %mul3A_0 = arith.muli %arg1, %mul3A : i32
    %add3A = arith.addi %mul3A_0, %arg0 : i32
    %mul3A_1 = arith.constant 512 : i32
    %mul3A_2 = arith.muli %add3A, %mul3A_1 : i32
    "tpu.region"() ({
      %run_scoped3A = tpu.sem_alloc : memref<!tpu.dma_semaphore, #tpu.memory_space<semaphore_mem>>
      %dma_start3A = arith.constant 0 : i32
      %dma_start3A_7 = tpu.memref_slice %arg3[%add3A, %dma_start3A] : memref<32x512xi32, #tpu.memory_space<hbm>> -> memref<1x512xi32, #tpu.memory_space<hbm>>
      %dma_start3A_8 = tpu.memref_squeeze %dma_start3A_7 : memref<1x512xi32, #tpu.memory_space<hbm>> -> memref<512xi32, #tpu.memory_space<hbm>>
      %dma_start3A_9 = arith.constant 0 : i32
      %dma_start3A_10 = tpu.memref_slice %arg3[%add3A, %dma_start3A_9] : memref<32x512xi32, #tpu.memory_space<hbm>> -> memref<1x512xi32, #tpu.memory_space<hbm>>
      %dma_start3A_11 = tpu.memref_squeeze %dma_start3A_10 : memref<1x512xi32, #tpu.memory_space<hbm>> -> memref<512xi32, #tpu.memory_space<hbm>>
      tpu.enqueue_dma source(%dma_start3A_11 : memref<512xi32, #tpu.memory_space<hbm>>) target(%arg5 : memref<512xi32, #tpu.memory_space<vmem>>) target_semaphore(%run_scoped3A : memref<!tpu.dma_semaphore, #tpu.memory_space<semaphore_mem>>)
      %dma_wait3A = arith.constant 0 : i32
      %dma_wait3A_12 = tpu.memref_slice %arg3[%add3A, %dma_wait3A] : memref<32x512xi32, #tpu.memory_space<hbm>> -> memref<1x512xi32, #tpu.memory_space<hbm>>
      %dma_wait3A_13 = tpu.memref_squeeze %dma_wait3A_12 : memref<1x512xi32, #tpu.memory_space<hbm>> -> memref<512xi32, #tpu.memory_space<hbm>>
      %dma_wait3A_14 = arith.constant 0 : i32
      %dma_wait3A_15 = tpu.memref_slice %arg3[%add3A, %dma_wait3A_14] : memref<32x512xi32, #tpu.memory_space<hbm>> -> memref<1x512xi32, #tpu.memory_space<hbm>>
      %dma_wait3A_16 = tpu.memref_squeeze %dma_wait3A_15 : memref<1x512xi32, #tpu.memory_space<hbm>> -> memref<512xi32, #tpu.memory_space<hbm>>
      tpu.wait_dma2 semaphore(%run_scoped3A : memref<!tpu.dma_semaphore, #tpu.memory_space<semaphore_mem>>) src(%dma_wait3A_16 : memref<512xi32, #tpu.memory_space<hbm>>) dst(%arg5 : memref<512xi32, #tpu.memory_space<vmem>>)
      tpu.yield
    }) : () -> ()
    %scan3A = arith.constant 0 : i32
    %scan3A_3 = arith.constant 33 : i32
    %scan3A_4 = arith.addi %scan3A, %scan3A_3 : i32
    %scan3A_5 = arith.constant 1 : i32
    scf.for %scan3A_7 = %scan3A to %scan3A_4 step %scan3A_5  : i32 {
      %mul3A_8 = arith.constant 1 : i32
      %mul3A_9 = arith.muli %scan3A_7, %mul3A_8 : i32
      %add3A_10 = arith.constant 0 : i32
      %add3A_11 = arith.addi %add3A_10, %mul3A_9 : i32
      %lt3A = arith.constant 32 : i32
      %lt3A_12 = arith.cmpi slt, %add3A_11, %lt3A : i32
      %convert_element_type3A = arith.extui %lt3A_12 : i1 to i32
      %cond3A = arith.constant 0 : i32
      %cond3A_13 = arith.cmpi ne, %convert_element_type3A, %cond3A : i32
      scf.if %cond3A_13 {
        %mul3A_18 = arith.constant 16 : i32
        %mul3A_19 = arith.muli %add3A_11, %mul3A_18 : i32
        %get3A = arith.index_cast %mul3A_19 : i32 to index
        %get3A_20 = tpu.vector_load %arg5[%get3A] {strides = array<i32>} : memref<512xi32, #tpu.memory_space<vmem>>, vector<16xi32>,
        %get3A_21 = vector.shape_cast %get3A_20 : vector<16xi32> to vector<16xi32>
        %slice3A = vector.extract_strided_slice %get3A_21 {offsets = [0], sizes = [1], strides = [1]} : vector<16xi32> to vector<1xi32>
        %squeeze3A = vector.extract %slice3A[0] : i32 from vector<1xi32>
        %mul3A_22 = arith.constant 16 : i32
        %mul3A_23 = arith.muli %add3A_11, %mul3A_22 : i32
        %add3A_24 = arith.constant 0 : i32
        %add3A_25 = arith.addi %mul3A_23, %add3A_24 : i32
        %rem3A = arith.constant 2 : i32
        %rem3A_26 = arith.remsi %add3A_11, %rem3A : i32
        %dma_start3A = arith.constant 0 : i32
        %dma_start3A_27 = tpu.memref_slice %arg6[%add3A_25, %dma_start3A] : memref<512x64xf32, #tpu.memory_space<vmem>> -> memref<1x64xf32, #tpu.memory_space<vmem>>
        %dma_start3A_28 = arith.constant 0 : i32
        %dma_start3A_29 = tpu.memref_slice %arg2[%squeeze3A, %dma_start3A_28] : memref<1000001x64xf32, #tpu.memory_space<hbm>> -> memref<1x64xf32, #tpu.memory_space<hbm>>
        %dma_start3A_30 = tpu.memref_slice %arg7[%rem3A_26] : memref<2x!tpu.dma_semaphore, #tpu.memory_space<semaphore_mem>> -> memref<1x!tpu.dma_semaphore, #tpu.memory_space<semaphore_mem>>
        %dma_start3A_31 = tpu.memref_squeeze %dma_start3A_30 : memref<1x!tpu.dma_semaphore, #tpu.memory_space<semaphore_mem>> -> memref<!tpu.dma_semaphore, #tpu.memory_space<semaphore_mem>>
        %dma_start3A_32 = arith.constant 0 : i32
        %dma_start3A_33 = tpu.memref_slice %arg6[%add3A_25, %dma_start3A_32] : memref<512x64xf32, #tpu.memory_space<vmem>> -> memref<1x64xf32, #tpu.memory_space<vmem>>
        %dma_start3A_34 = arith.constant 0 : i32
        %dma_start3A_35 = tpu.memref_slice %arg2[%squeeze3A, %dma_start3A_34] : memref<1000001x64xf32, #tpu.memory_space<hbm>> -> memref<1x64xf32, #tpu.memory_space<hbm>>
        tpu.enqueue_dma source(%dma_start3A_35 : memref<1x64xf32, #tpu.memory_space<hbm>>) target(%dma_start3A_33 : memref<1x64xf32, #tpu.memory_space<vmem>>) target_semaphore(%dma_start3A_31 : memref<!tpu.dma_semaphore, #tpu.memory_space<semaphore_mem>>)
        %slice3A_36 = vector.extract_strided_slice %get3A_21 {offsets = [1], sizes = [1], strides = [1]} : vector<16xi32> to vector<1xi32>
        %squeeze3A_37 = vector.extract %slice3A_36[0] : i32 from vector<1xi32>
        %mul3A_38 = arith.constant 16 : i32
        %mul3A_39 = arith.muli %add3A_11, %mul3A_38 : i32
        %add3A_40 = arith.constant 1 : i32
        %add3A_41 = arith.addi %mul3A_39, %add3A_40 : i32
        %rem3A_42 = arith.constant 2 : i32
        %rem3A_43 = arith.remsi %add3A_11, %rem3A_42 : i32
        %dma_start3A_44 = arith.constant 0 : i32
        %dma_start3A_45 = tpu.memref_slice %arg6[%add3A_41, %dma_start3A_44] : memref<512x64xf32, #tpu.memory_space<vmem>> -> memref<1x64xf32, #tpu.memory_space<vmem>>
        %dma_start3A_46 = arith.constant 0 : i32
        %dma_start3A_47 = tpu.memref_slice %arg2[%squeeze3A_37, %dma_start3A_46] : memref<1000001x64xf32, #tpu.memory_space<hbm>> -> memref<1x64xf32, #tpu.memory_space<hbm>>
        %dma_start3A_48 = tpu.memref_slice %arg7[%rem3A_43] : memref<2x!tpu.dma_semaphore, #tpu.memory_space<semaphore_mem>> -> memref<1x!tpu.dma_semaphore, #tpu.memory_space<semaphore_mem>>
        %dma_start3A_49 = tpu.memref_squeeze %dma_start3A_48 : memref<1x!tpu.dma_semaphore, #tpu.memory_space<semaphore_mem>> -> memref<!tpu.dma_semaphore, #tpu.memory_space<semaphore_mem>>
        %dma_start3A_50 = arith.constant 0 : i32
        %dma_start3A_51 = tpu.memref_slice %arg6[%add3A_41, %dma_start3A_50] : memref<512x64xf32, #tpu.memory_space<vmem>> -> memref<1x64xf32, #tpu.memory_space<vmem>>
        %dma_start3A_52 = arith.constant 0 : i32
        %dma_start3A_53 = tpu.memref_slice %arg2[%squeeze3A_37, %dma_start3A_52] : memref<1000001x64xf32, #tpu.memory_space<hbm>> -> memref<1x64xf32, #tpu.memory_space<hbm>>
        tpu.enqueue_dma source(%dma_start3A_53 : memref<1x64xf32, #tpu.memory_space<hbm>>) target(%dma_start3A_51 : memref<1x64xf32, #tpu.memory_space<vmem>>) target_semaphore(%dma_start3A_49 : memref<!tpu.dma_semaphore, #tpu.memory_space<semaphore_mem>>)
        %slice3A_54 = vector.extract_strided_slice %get3A_21 {offsets = [2], sizes = [1], strides = [1]} : vector<16xi32> to vector<1xi32>
        %squeeze3A_55 = vector.extract %slice3A_54[0] : i32 from vector<1xi32>
        %mul3A_56 = arith.constant 16 : i32
        %mul3A_57 = arith.muli %add3A_11, %mul3A_56 : i32
        %add3A_58 = arith.constant 2 : i32
        %add3A_59 = arith.addi %mul3A_57, %add3A_58 : i32
        %rem3A_60 = arith.constant 2 : i32
        %rem3A_61 = arith.remsi %add3A_11, %rem3A_60 : i32
        %dma_start3A_62 = arith.constant 0 : i32
        %dma_start3A_63 = tpu.memref_slice %arg6[%add3A_59, %dma_start3A_62] : memref<512x64xf32, #tpu.memory_space<vmem>> -> memref<1x64xf32, #tpu.memory_space<vmem>>
        %dma_start3A_64 = arith.constant 0 : i32
        %dma_start3A_65 = tpu.memref_slice %arg2[%squeeze3A_55, %dma_start3A_64] : memref<1000001x64xf32, #tpu.memory_space<hbm>> -> memref<1x64xf32, #tpu.memory_space<hbm>>
        %dma_start3A_66 = tpu.memref_slice %arg7[%rem3A_61] : memref<2x!tpu.dma_semaphore, #tpu.memory_space<semaphore_mem>> -> memref<1x!tpu.dma_semaphore, #tpu.memory_space<semaphore_mem>>
        %dma_start3A_67 = tpu.memref_squeeze %dma_start3A_66 : memref<1x!tpu.dma_semaphore, #tpu.memory_space<semaphore_mem>> -> memref<!tpu.dma_semaphore, #tpu.memory_space<semaphore_mem>>
        %dma_start3A_68 = arith.constant 0 : i32
        %dma_start3A_69 = tpu.memref_slice %arg6[%add3A_59, %dma_start3A_68] : memref<512x64xf32, #tpu.memory_space<vmem>> -> memref<1x64xf32, #tpu.memory_space<vmem>>
        %dma_start3A_70 = arith.constant 0 : i32
        %dma_start3A_71 = tpu.memref_slice %arg2[%squeeze3A_55, %dma_start3A_70] : memref<1000001x64xf32, #tpu.memory_space<hbm>> -> memref<1x64xf32, #tpu.memory_space<hbm>>
        tpu.enqueue_dma source(%dma_start3A_71 : memref<1x64xf32, #tpu.memory_space<hbm>>) target(%dma_start3A_69 : memref<1x64xf32, #tpu.memory_space<vmem>>) target_semaphore(%dma_start3A_67 : memref<!tpu.dma_semaphore, #tpu.memory_space<semaphore_mem>>)
        %slice3A_72 = vector.extract_strided_slice %get3A_21 {offsets = [3], sizes = [1], strides = [1]} : vector<16xi32> to vector<1xi32>
        %squeeze3A_73 = vector.extract %slice3A_72[0] : i32 from vector<1xi32>
        %mul3A_74 = arith.constant 16 : i32
        %mul3A_75 = arith.muli %add3A_11, %mul3A_74 : i32
        %add3A_76 = arith.constant 3 : i32
        %add3A_77 = arith.addi %mul3A_75, %add3A_76 : i32
        %rem3A_78 = arith.constant 2 : i32
        %rem3A_79 = arith.remsi %add3A_11, %rem3A_78 : i32
        %dma_start3A_80 = arith.constant 0 : i32
        %dma_start3A_81 = tpu.memref_slice %arg6[%add3A_77, %dma_start3A_80] : memref<512x64xf32, #tpu.memory_space<vmem>> -> memref<1x64xf32, #tpu.memory_space<vmem>>
        %dma_start3A_82 = arith.constant 0 : i32
        %dma_start3A_83 = tpu.memref_slice %arg2[%squeeze3A_73, %dma_start3A_82] : memref<1000001x64xf32, #tpu.memory_space<hbm>> -> memref<1x64xf32, #tpu.memory_space<hbm>>
        %dma_start3A_84 = tpu.memref_slice %arg7[%rem3A_79] : memref<2x!tpu.dma_semaphore, #tpu.memory_space<semaphore_mem>> -> memref<1x!tpu.dma_semaphore, #tpu.memory_space<semaphore_mem>>
        %dma_start3A_85 = tpu.memref_squeeze %dma_start3A_84 : memref<1x!tpu.dma_semaphore, #tpu.memory_space<semaphore_mem>> -> memref<!tpu.dma_semaphore, #tpu.memory_space<semaphore_mem>>
        %dma_start3A_86 = arith.constant 0 : i32
        %dma_start3A_87 = tpu.memref_slice %arg6[%add3A_77, %dma_start3A_86] : memref<512x64xf32, #tpu.memory_space<vmem>> -> memref<1x64xf32, #tpu.memory_space<vmem>>
        %dma_start3A_88 = arith.constant 0 : i32
        %dma_start3A_89 = tpu.memref_slice %arg2[%squeeze3A_73, %dma_start3A_88] : memref<1000001x64xf32, #tpu.memory_space<hbm>> -> memref<1x64xf32, #tpu.memory_space<hbm>>
        tpu.enqueue_dma source(%dma_start3A_89 : memref<1x64xf32, #tpu.memory_space<hbm>>) target(%dma_start3A_87 : memref<1x64xf32, #tpu.memory_space<vmem>>) target_semaphore(%dma_start3A_85 : memref<!tpu.dma_semaphore, #tpu.memory_space<semaphore_mem>>)
        %slice3A_90 = vector.extract_strided_slice %get3A_21 {offsets = [4], sizes = [1], strides = [1]} : vector<16xi32> to vector<1xi32>
        %squeeze3A_91 = vector.extract %slice3A_90[0] : i32 from vector<1xi32>
        %mul3A_92 = arith.constant 16 : i32
        %mul3A_93 = arith.muli %add3A_11, %mul3A_92 : i32
        %add3A_94 = arith.constant 4 : i32
        %add3A_95 = arith.addi %mul3A_93, %add3A_94 : i32
        %rem3A_96 = arith.constant 2 : i32
        %rem3A_97 = arith.remsi %add3A_11, %rem3A_96 : i32
        %dma_start3A_98 = arith.constant 0 : i32
        %dma_start3A_99 = tpu.memref_slice %arg6[%add3A_95, %dma_start3A_98] : memref<512x64xf32, #tpu.memory_space<vmem>> -> memref<1x64xf32, #tpu.memory_space<vmem>>
        %dma_start3A_100 = arith.constant 0 : i32
        %dma_start3A_101 = tpu.memref_slice %arg2[%squeeze3A_91, %dma_start3A_100] : memref<1000001x64xf32, #tpu.memory_space<hbm>> -> memref<1x64xf32, #tpu.memory_space<hbm>>
        %dma_start3A_102 = tpu.memref_slice %arg7[%rem3A_97] : memref<2x!tpu.dma_semaphore, #tpu.memory_space<semaphore_mem>> -> memref<1x!tpu.dma_semaphore, #tpu.memory_space<semaphore_mem>>
        %dma_start3A_103 = tpu.memref_squeeze %dma_start3A_102 : memref<1x!tpu.dma_semaphore, #tpu.memory_space<semaphore_mem>> -> memref<!tpu.dma_semaphore, #tpu.memory_space<semaphore_mem>>
        %dma_start3A_104 = arith.constant 0 : i32
        %dma_start3A_105 = tpu.memref_slice %arg6[%add3A_95, %dma_start3A_104] : memref<512x64xf32, #tpu.memory_space<vmem>> -> memref<1x64xf32, #tpu.memory_space<vmem>>
        %dma_start3A_106 = arith.constant 0 : i32
        %dma_start3A_107 = tpu.memref_slice %arg2[%squeeze3A_91, %dma_start3A_106] : memref<1000001x64xf32, #tpu.memory_space<hbm>> -> memref<1x64xf32, #tpu.memory_space<hbm>>
        tpu.enqueue_dma source(%dma_start3A_107 : memref<1x64xf32, #tpu.memory_space<hbm>>) target(%dma_start3A_105 : memref<1x64xf32, #tpu.memory_space<vmem>>) target_semaphore(%dma_start3A_103 : memref<!tpu.dma_semaphore, #tpu.memory_space<semaphore_mem>>)
        %slice3A_108 = vector.extract_strided_slice %get3A_21 {offsets = [5], sizes = [1], strides = [1]} : vector<16xi32> to vector<1xi32>
        %squeeze3A_109 = vector.extract %slice3A_108[0] : i32 from vector<1xi32>
        %mul3A_110 = arith.constant 16 : i32
        %mul3A_111 = arith.muli %add3A_11, %mul3A_110 : i32
        %add3A_112 = arith.constant 5 : i32
        %add3A_113 = arith.addi %mul3A_111, %add3A_112 : i32
        %rem3A_114 = arith.constant 2 : i32
        %rem3A_115 = arith.remsi %add3A_11, %rem3A_114 : i32
        %dma_start3A_116 = arith.constant 0 : i32
        %dma_start3A_117 = tpu.memref_slice %arg6[%add3A_113, %dma_start3A_116] : memref<512x64xf32, #tpu.memory_space<vmem>> -> memref<1x64xf32, #tpu.memory_space<vmem>>
        %dma_start3A_118 = arith.constant 0 : i32
        %dma_start3A_119 = tpu.memref_slice %arg2[%squeeze3A_109, %dma_start3A_118] : memref<1000001x64xf32, #tpu.memory_space<hbm>> -> memref<1x64xf32, #tpu.memory_space<hbm>>
        %dma_start3A_120 = tpu.memref_slice %arg7[%rem3A_115] : memref<2x!tpu.dma_semaphore, #tpu.memory_space<semaphore_mem>> -> memref<1x!tpu.dma_semaphore, #tpu.memory_space<semaphore_mem>>
        %dma_start3A_121 = tpu.memref_squeeze %dma_start3A_120 : memref<1x!tpu.dma_semaphore, #tpu.memory_space<semaphore_mem>> -> memref<!tpu.dma_semaphore, #tpu.memory_space<semaphore_mem>>
        %dma_start3A_122 = arith.constant 0 : i32
        %dma_start3A_123 = tpu.memref_slice %arg6[%add3A_113, %dma_start3A_122] : memref<512x64xf32, #tpu.memory_space<vmem>> -> memref<1x64xf32, #tpu.memory_space<vmem>>
        %dma_start3A_124 = arith.constant 0 : i32
        %dma_start3A_125 = tpu.memref_slice %arg2[%squeeze3A_109, %dma_start3A_124] : memref<1000001x64xf32, #tpu.memory_space<hbm>> -> memref<1x64xf32, #tpu.memory_space<hbm>>
        tpu.enqueue_dma source(%dma_start3A_125 : memref<1x64xf32, #tpu.memory_space<hbm>>) target(%dma_start3A_123 : memref<1x64xf32, #tpu.memory_space<vmem>>) target_semaphore(%dma_start3A_121 : memref<!tpu.dma_semaphore, #tpu.memory_space<semaphore_mem>>)
        %slice3A_126 = vector.extract_strided_slice %get3A_21 {offsets = [6], sizes = [1], strides = [1]} : vector<16xi32> to vector<1xi32>
        %squeeze3A_127 = vector.extract %slice3A_126[0] : i32 from vector<1xi32>
        %mul3A_128 = arith.constant 16 : i32
        %mul3A_129 = arith.muli %add3A_11, %mul3A_128 : i32
        %add3A_130 = arith.constant 6 : i32
        %add3A_131 = arith.addi %mul3A_129, %add3A_130 : i32
        %rem3A_132 = arith.constant 2 : i32
        %rem3A_133 = arith.remsi %add3A_11, %rem3A_132 : i32
        %dma_start3A_134 = arith.constant 0 : i32
        %dma_start3A_135 = tpu.memref_slice %arg6[%add3A_131, %dma_start3A_134] : memref<512x64xf32, #tpu.memory_space<vmem>> -> memref<1x64xf32, #tpu.memory_space<vmem>>
        %dma_start3A_136 = arith.constant 0 : i32
        %dma_start3A_137 = tpu.memref_slice %arg2[%squeeze3A_127, %dma_start3A_136] : memref<1000001x64xf32, #tpu.memory_space<hbm>> -> memref<1x64xf32, #tpu.memory_space<hbm>>
        %dma_start3A_138 = tpu.memref_slice %arg7[%rem3A_133] : memref<2x!tpu.dma_semaphore, #tpu.memory_space<semaphore_mem>> -> memref<1x!tpu.dma_semaphore, #tpu.memory_space<semaphore_mem>>
        %dma_start3A_139 = tpu.memref_squeeze %dma_start3A_138 : memref<1x!tpu.dma_semaphore, #tpu.memory_space<semaphore_mem>> -> memref<!tpu.dma_semaphore, #tpu.memory_space<semaphore_mem>>
        %dma_start3A_140 = arith.constant 0 : i32
        %dma_start3A_141 = tpu.memref_slice %arg6[%add3A_131, %dma_start3A_140] : memref<512x64xf32, #tpu.memory_space<vmem>> -> memref<1x64xf32, #tpu.memory_space<vmem>>
        %dma_start3A_142 = arith.constant 0 : i32
        %dma_start3A_143 = tpu.memref_slice %arg2[%squeeze3A_127, %dma_start3A_142] : memref<1000001x64xf32, #tpu.memory_space<hbm>> -> memref<1x64xf32, #tpu.memory_space<hbm>>
        tpu.enqueue_dma source(%dma_start3A_143 : memref<1x64xf32, #tpu.memory_space<hbm>>) target(%dma_start3A_141 : memref<1x64xf32, #tpu.memory_space<vmem>>) target_semaphore(%dma_start3A_139 : memref<!tpu.dma_semaphore, #tpu.memory_space<semaphore_mem>>)
        %slice3A_144 = vector.extract_strided_slice %get3A_21 {offsets = [7], sizes = [1], strides = [1]} : vector<16xi32> to vector<1xi32>
        %squeeze3A_145 = vector.extract %slice3A_144[0] : i32 from vector<1xi32>
        %mul3A_146 = arith.constant 16 : i32
        %mul3A_147 = arith.muli %add3A_11, %mul3A_146 : i32
        %add3A_148 = arith.constant 7 : i32
        %add3A_149 = arith.addi %mul3A_147, %add3A_148 : i32
        %rem3A_150 = arith.constant 2 : i32
        %rem3A_151 = arith.remsi %add3A_11, %rem3A_150 : i32
        %dma_start3A_152 = arith.constant 0 : i32
        %dma_start3A_153 = tpu.memref_slice %arg6[%add3A_149, %dma_start3A_152] : memref<512x64xf32, #tpu.memory_space<vmem>> -> memref<1x64xf32, #tpu.memory_space<vmem>>
        %dma_start3A_154 = arith.constant 0 : i32
        %dma_start3A_155 = tpu.memref_slice %arg2[%squeeze3A_145, %dma_start3A_154] : memref<1000001x64xf32, #tpu.memory_space<hbm>> -> memref<1x64xf32, #tpu.memory_space<hbm>>
        %dma_start3A_156 = tpu.memref_slice %arg7[%rem3A_151] : memref<2x!tpu.dma_semaphore, #tpu.memory_space<semaphore_mem>> -> memref<1x!tpu.dma_semaphore, #tpu.memory_space<semaphore_mem>>
        %dma_start3A_157 = tpu.memref_squeeze %dma_start3A_156 : memref<1x!tpu.dma_semaphore, #tpu.memory_space<semaphore_mem>> -> memref<!tpu.dma_semaphore, #tpu.memory_space<semaphore_mem>>
        %dma_start3A_158 = arith.constant 0 : i32
        %dma_start3A_159 = tpu.memref_slice %arg6[%add3A_149, %dma_start3A_158] : memref<512x64xf32, #tpu.memory_space<vmem>> -> memref<1x64xf32, #tpu.memory_space<vmem>>
        %dma_start3A_160 = arith.constant 0 : i32
        %dma_start3A_161 = tpu.memref_slice %arg2[%squeeze3A_145, %dma_start3A_160] : memref<1000001x64xf32, #tpu.memory_space<hbm>> -> memref<1x64xf32, #tpu.memory_space<hbm>>
        tpu.enqueue_dma source(%dma_start3A_161 : memref<1x64xf32, #tpu.memory_space<hbm>>) target(%dma_start3A_159 : memref<1x64xf32, #tpu.memory_space<vmem>>) target_semaphore(%dma_start3A_157 : memref<!tpu.dma_semaphore, #tpu.memory_space<semaphore_mem>>)
        %slice3A_162 = vector.extract_strided_slice %get3A_21 {offsets = [8], sizes = [1], strides = [1]} : vector<16xi32> to vector<1xi32>
        %squeeze3A_163 = vector.extract %slice3A_162[0] : i32 from vector<1xi32>
        %mul3A_164 = arith.constant 16 : i32
        %mul3A_165 = arith.muli %add3A_11, %mul3A_164 : i32
        %add3A_166 = arith.constant 8 : i32
        %add3A_167 = arith.addi %mul3A_165, %add3A_166 : i32
        %rem3A_168 = arith.constant 2 : i32
        %rem3A_169 = arith.remsi %add3A_11, %rem3A_168 : i32
        %dma_start3A_170 = arith.constant 0 : i32
        %dma_start3A_171 = tpu.memref_slice %arg6[%add3A_167, %dma_start3A_170] : memref<512x64xf32, #tpu.memory_space<vmem>> -> memref<1x64xf32, #tpu.memory_space<vmem>>
        %dma_start3A_172 = arith.constant 0 : i32
        %dma_start3A_173 = tpu.memref_slice %arg2[%squeeze3A_163, %dma_start3A_172] : memref<1000001x64xf32, #tpu.memory_space<hbm>> -> memref<1x64xf32, #tpu.memory_space<hbm>>
        %dma_start3A_174 = tpu.memref_slice %arg7[%rem3A_169] : memref<2x!tpu.dma_semaphore, #tpu.memory_space<semaphore_mem>> -> memref<1x!tpu.dma_semaphore, #tpu.memory_space<semaphore_mem>>
        %dma_start3A_175 = tpu.memref_squeeze %dma_start3A_174 : memref<1x!tpu.dma_semaphore, #tpu.memory_space<semaphore_mem>> -> memref<!tpu.dma_semaphore, #tpu.memory_space<semaphore_mem>>
        %dma_start3A_176 = arith.constant 0 : i32
        %dma_start3A_177 = tpu.memref_slice %arg6[%add3A_167, %dma_start3A_176] : memref<512x64xf32, #tpu.memory_space<vmem>> -> memref<1x64xf32, #tpu.memory_space<vmem>>
        %dma_start3A_178 = arith.constant 0 : i32
        %dma_start3A_179 = tpu.memref_slice %arg2[%squeeze3A_163, %dma_start3A_178] : memref<1000001x64xf32, #tpu.memory_space<hbm>> -> memref<1x64xf32, #tpu.memory_space<hbm>>
        tpu.enqueue_dma source(%dma_start3A_179 : memref<1x64xf32, #tpu.memory_space<hbm>>) target(%dma_start3A_177 : memref<1x64xf32, #tpu.memory_space<vmem>>) target_semaphore(%dma_start3A_175 : memref<!tpu.dma_semaphore, #tpu.memory_space<semaphore_mem>>)
        %slice3A_180 = vector.extract_strided_slice %get3A_21 {offsets = [9], sizes = [1], strides = [1]} : vector<16xi32> to vector<1xi32>
        %squeeze3A_181 = vector.extract %slice3A_180[0] : i32 from vector<1xi32>
        %mul3A_182 = arith.constant 16 : i32
        %mul3A_183 = arith.muli %add3A_11, %mul3A_182 : i32
        %add3A_184 = arith.constant 9 : i32
        %add3A_185 = arith.addi %mul3A_183, %add3A_184 : i32
        %rem3A_186 = arith.constant 2 : i32
        %rem3A_187 = arith.remsi %add3A_11, %rem3A_186 : i32
        %dma_start3A_188 = arith.constant 0 : i32
        %dma_start3A_189 = tpu.memref_slice %arg6[%add3A_185, %dma_start3A_188] : memref<512x64xf32, #tpu.memory_space<vmem>> -> memref<1x64xf32, #tpu.memory_space<vmem>>
        %dma_start3A_190 = arith.constant 0 : i32
        %dma_start3A_191 = tpu.memref_slice %arg2[%squeeze3A_181, %dma_start3A_190] : memref<1000001x64xf32, #tpu.memory_space<hbm>> -> memref<1x64xf32, #tpu.memory_space<hbm>>
        %dma_start3A_192 = tpu.memref_slice %arg7[%rem3A_187] : memref<2x!tpu.dma_semaphore, #tpu.memory_space<semaphore_mem>> -> memref<1x!tpu.dma_semaphore, #tpu.memory_space<semaphore_mem>>
        %dma_start3A_193 = tpu.memref_squeeze %dma_start3A_192 : memref<1x!tpu.dma_semaphore, #tpu.memory_space<semaphore_mem>> -> memref<!tpu.dma_semaphore, #tpu.memory_space<semaphore_mem>>
        %dma_start3A_194 = arith.constant 0 : i32
        %dma_start3A_195 = tpu.memref_slice %arg6[%add3A_185, %dma_start3A_194] : memref<512x64xf32, #tpu.memory_space<vmem>> -> memref<1x64xf32, #tpu.memory_space<vmem>>
        %dma_start3A_196 = arith.constant 0 : i32
        %dma_start3A_197 = tpu.memref_slice %arg2[%squeeze3A_181, %dma_start3A_196] : memref<1000001x64xf32, #tpu.memory_space<hbm>> -> memref<1x64xf32, #tpu.memory_space<hbm>>
        tpu.enqueue_dma source(%dma_start3A_197 : memref<1x64xf32, #tpu.memory_space<hbm>>) target(%dma_start3A_195 : memref<1x64xf32, #tpu.memory_space<vmem>>) target_semaphore(%dma_start3A_193 : memref<!tpu.dma_semaphore, #tpu.memory_space<semaphore_mem>>)
        %slice3A_198 = vector.extract_strided_slice %get3A_21 {offsets = [10], sizes = [1], strides = [1]} : vector<16xi32> to vector<1xi32>
        %squeeze3A_199 = vector.extract %slice3A_198[0] : i32 from vector<1xi32>
        %mul3A_200 = arith.constant 16 : i32
        %mul3A_201 = arith.muli %add3A_11, %mul3A_200 : i32
        %add3A_202 = arith.constant 10 : i32
        %add3A_203 = arith.addi %mul3A_201, %add3A_202 : i32
        %rem3A_204 = arith.constant 2 : i32
        %rem3A_205 = arith.remsi %add3A_11, %rem3A_204 : i32
        %dma_start3A_206 = arith.constant 0 : i32
        %dma_start3A_207 = tpu.memref_slice %arg6[%add3A_203, %dma_start3A_206] : memref<512x64xf32, #tpu.memory_space<vmem>> -> memref<1x64xf32, #tpu.memory_space<vmem>>
        %dma_start3A_208 = arith.constant 0 : i32
        %dma_start3A_209 = tpu.memref_slice %arg2[%squeeze3A_199, %dma_start3A_208] : memref<1000001x64xf32, #tpu.memory_space<hbm>> -> memref<1x64xf32, #tpu.memory_space<hbm>>
        %dma_start3A_210 = tpu.memref_slice %arg7[%rem3A_205] : memref<2x!tpu.dma_semaphore, #tpu.memory_space<semaphore_mem>> -> memref<1x!tpu.dma_semaphore, #tpu.memory_space<semaphore_mem>>
        %dma_start3A_211 = tpu.memref_squeeze %dma_start3A_210 : memref<1x!tpu.dma_semaphore, #tpu.memory_space<semaphore_mem>> -> memref<!tpu.dma_semaphore, #tpu.memory_space<semaphore_mem>>
        %dma_start3A_212 = arith.constant 0 : i32
        %dma_start3A_213 = tpu.memref_slice %arg6[%add3A_203, %dma_start3A_212] : memref<512x64xf32, #tpu.memory_space<vmem>> -> memref<1x64xf32, #tpu.memory_space<vmem>>
        %dma_start3A_214 = arith.constant 0 : i32
        %dma_start3A_215 = tpu.memref_slice %arg2[%squeeze3A_199, %dma_start3A_214] : memref<1000001x64xf32, #tpu.memory_space<hbm>> -> memref<1x64xf32, #tpu.memory_space<hbm>>
        tpu.enqueue_dma source(%dma_start3A_215 : memref<1x64xf32, #tpu.memory_space<hbm>>) target(%dma_start3A_213 : memref<1x64xf32, #tpu.memory_space<vmem>>) target_semaphore(%dma_start3A_211 : memref<!tpu.dma_semaphore, #tpu.memory_space<semaphore_mem>>)
        %slice3A_216 = vector.extract_strided_slice %get3A_21 {offsets = [11], sizes = [1], strides = [1]} : vector<16xi32> to vector<1xi32>
        %squeeze3A_217 = vector.extract %slice3A_216[0] : i32 from vector<1xi32>
        %mul3A_218 = arith.constant 16 : i32
        %mul3A_219 = arith.muli %add3A_11, %mul3A_218 : i32
        %add3A_220 = arith.constant 11 : i32
        %add3A_221 = arith.addi %mul3A_219, %add3A_220 : i32
        %rem3A_222 = arith.constant 2 : i32
        %rem3A_223 = arith.remsi %add3A_11, %rem3A_222 : i32
        %dma_start3A_224 = arith.constant 0 : i32
        %dma_start3A_225 = tpu.memref_slice %arg6[%add3A_221, %dma_start3A_224] : memref<512x64xf32, #tpu.memory_space<vmem>> -> memref<1x64xf32, #tpu.memory_space<vmem>>
        %dma_start3A_226 = arith.constant 0 : i32
        %dma_start3A_227 = tpu.memref_slice %arg2[%squeeze3A_217, %dma_start3A_226] : memref<1000001x64xf32, #tpu.memory_space<hbm>> -> memref<1x64xf32, #tpu.memory_space<hbm>>
        %dma_start3A_228 = tpu.memref_slice %arg7[%rem3A_223] : memref<2x!tpu.dma_semaphore, #tpu.memory_space<semaphore_mem>> -> memref<1x!tpu.dma_semaphore, #tpu.memory_space<semaphore_mem>>
        %dma_start3A_229 = tpu.memref_squeeze %dma_start3A_228 : memref<1x!tpu.dma_semaphore, #tpu.memory_space<semaphore_mem>> -> memref<!tpu.dma_semaphore, #tpu.memory_space<semaphore_mem>>
        %dma_start3A_230 = arith.constant 0 : i32
        %dma_start3A_231 = tpu.memref_slice %arg6[%add3A_221, %dma_start3A_230] : memref<512x64xf32, #tpu.memory_space<vmem>> -> memref<1x64xf32, #tpu.memory_space<vmem>>
        %dma_start3A_232 = arith.constant 0 : i32
        %dma_start3A_233 = tpu.memref_slice %arg2[%squeeze3A_217, %dma_start3A_232] : memref<1000001x64xf32, #tpu.memory_space<hbm>> -> memref<1x64xf32, #tpu.memory_space<hbm>>
        tpu.enqueue_dma source(%dma_start3A_233 : memref<1x64xf32, #tpu.memory_space<hbm>>) target(%dma_start3A_231 : memref<1x64xf32, #tpu.memory_space<vmem>>) target_semaphore(%dma_start3A_229 : memref<!tpu.dma_semaphore, #tpu.memory_space<semaphore_mem>>)
        %slice3A_234 = vector.extract_strided_slice %get3A_21 {offsets = [12], sizes = [1], strides = [1]} : vector<16xi32> to vector<1xi32>
        %squeeze3A_235 = vector.extract %slice3A_234[0] : i32 from vector<1xi32>
        %mul3A_236 = arith.constant 16 : i32
        %mul3A_237 = arith.muli %add3A_11, %mul3A_236 : i32
        %add3A_238 = arith.constant 12 : i32
        %add3A_239 = arith.addi %mul3A_237, %add3A_238 : i32
        %rem3A_240 = arith.constant 2 : i32
        %rem3A_241 = arith.remsi %add3A_11, %rem3A_240 : i32
        %dma_start3A_242 = arith.constant 0 : i32
        %dma_start3A_243 = tpu.memref_slice %arg6[%add3A_239, %dma_start3A_242] : memref<512x64xf32, #tpu.memory_space<vmem>> -> memref<1x64xf32, #tpu.memory_space<vmem>>
        %dma_start3A_244 = arith.constant 0 : i32
        %dma_start3A_245 = tpu.memref_slice %arg2[%squeeze3A_235, %dma_start3A_244] : memref<1000001x64xf32, #tpu.memory_space<hbm>> -> memref<1x64xf32, #tpu.memory_space<hbm>>
        %dma_start3A_246 = tpu.memref_slice %arg7[%rem3A_241] : memref<2x!tpu.dma_semaphore, #tpu.memory_space<semaphore_mem>> -> memref<1x!tpu.dma_semaphore, #tpu.memory_space<semaphore_mem>>
        %dma_start3A_247 = tpu.memref_squeeze %dma_start3A_246 : memref<1x!tpu.dma_semaphore, #tpu.memory_space<semaphore_mem>> -> memref<!tpu.dma_semaphore, #tpu.memory_space<semaphore_mem>>
        %dma_start3A_248 = arith.constant 0 : i32
        %dma_start3A_249 = tpu.memref_slice %arg6[%add3A_239, %dma_start3A_248] : memref<512x64xf32, #tpu.memory_space<vmem>> -> memref<1x64xf32, #tpu.memory_space<vmem>>
        %dma_start3A_250 = arith.constant 0 : i32
        %dma_start3A_251 = tpu.memref_slice %arg2[%squeeze3A_235, %dma_start3A_250] : memref<1000001x64xf32, #tpu.memory_space<hbm>> -> memref<1x64xf32, #tpu.memory_space<hbm>>
        tpu.enqueue_dma source(%dma_start3A_251 : memref<1x64xf32, #tpu.memory_space<hbm>>) target(%dma_start3A_249 : memref<1x64xf32, #tpu.memory_space<vmem>>) target_semaphore(%dma_start3A_247 : memref<!tpu.dma_semaphore, #tpu.memory_space<semaphore_mem>>)
        %slice3A_252 = vector.extract_strided_slice %get3A_21 {offsets = [13], sizes = [1], strides = [1]} : vector<16xi32> to vector<1xi32>
        %squeeze3A_253 = vector.extract %slice3A_252[0] : i32 from vector<1xi32>
        %mul3A_254 = arith.constant 16 : i32
        %mul3A_255 = arith.muli %add3A_11, %mul3A_254 : i32
        %add3A_256 = arith.constant 13 : i32
        %add3A_257 = arith.addi %mul3A_255, %add3A_256 : i32
        %rem3A_258 = arith.constant 2 : i32
        %rem3A_259 = arith.remsi %add3A_11, %rem3A_258 : i32
        %dma_start3A_260 = arith.constant 0 : i32
        %dma_start3A_261 = tpu.memref_slice %arg6[%add3A_257, %dma_start3A_260] : memref<512x64xf32, #tpu.memory_space<vmem>> -> memref<1x64xf32, #tpu.memory_space<vmem>>
        %dma_start3A_262 = arith.constant 0 : i32
        %dma_start3A_263 = tpu.memref_slice %arg2[%squeeze3A_253, %dma_start3A_262] : memref<1000001x64xf32, #tpu.memory_space<hbm>> -> memref<1x64xf32, #tpu.memory_space<hbm>>
        %dma_start3A_264 = tpu.memref_slice %arg7[%rem3A_259] : memref<2x!tpu.dma_semaphore, #tpu.memory_space<semaphore_mem>> -> memref<1x!tpu.dma_semaphore, #tpu.memory_space<semaphore_mem>>
        %dma_start3A_265 = tpu.memref_squeeze %dma_start3A_264 : memref<1x!tpu.dma_semaphore, #tpu.memory_space<semaphore_mem>> -> memref<!tpu.dma_semaphore, #tpu.memory_space<semaphore_mem>>
        %dma_start3A_266 = arith.constant 0 : i32
        %dma_start3A_267 = tpu.memref_slice %arg6[%add3A_257, %dma_start3A_266] : memref<512x64xf32, #tpu.memory_space<vmem>> -> memref<1x64xf32, #tpu.memory_space<vmem>>
        %dma_start3A_268 = arith.constant 0 : i32
        %dma_start3A_269 = tpu.memref_slice %arg2[%squeeze3A_253, %dma_start3A_268] : memref<1000001x64xf32, #tpu.memory_space<hbm>> -> memref<1x64xf32, #tpu.memory_space<hbm>>
        tpu.enqueue_dma source(%dma_start3A_269 : memref<1x64xf32, #tpu.memory_space<hbm>>) target(%dma_start3A_267 : memref<1x64xf32, #tpu.memory_space<vmem>>) target_semaphore(%dma_start3A_265 : memref<!tpu.dma_semaphore, #tpu.memory_space<semaphore_mem>>)
        %slice3A_270 = vector.extract_strided_slice %get3A_21 {offsets = [14], sizes = [1], strides = [1]} : vector<16xi32> to vector<1xi32>
        %squeeze3A_271 = vector.extract %slice3A_270[0] : i32 from vector<1xi32>
        %mul3A_272 = arith.constant 16 : i32
        %mul3A_273 = arith.muli %add3A_11, %mul3A_272 : i32
        %add3A_274 = arith.constant 14 : i32
        %add3A_275 = arith.addi %mul3A_273, %add3A_274 : i32
        %rem3A_276 = arith.constant 2 : i32
        %rem3A_277 = arith.remsi %add3A_11, %rem3A_276 : i32
        %dma_start3A_278 = arith.constant 0 : i32
        %dma_start3A_279 = tpu.memref_slice %arg6[%add3A_275, %dma_start3A_278] : memref<512x64xf32, #tpu.memory_space<vmem>> -> memref<1x64xf32, #tpu.memory_space<vmem>>
        %dma_start3A_280 = arith.constant 0 : i32
        %dma_start3A_281 = tpu.memref_slice %arg2[%squeeze3A_271, %dma_start3A_280] : memref<1000001x64xf32, #tpu.memory_space<hbm>> -> memref<1x64xf32, #tpu.memory_space<hbm>>
        %dma_start3A_282 = tpu.memref_slice %arg7[%rem3A_277] : memref<2x!tpu.dma_semaphore, #tpu.memory_space<semaphore_mem>> -> memref<1x!tpu.dma_semaphore, #tpu.memory_space<semaphore_mem>>
        %dma_start3A_283 = tpu.memref_squeeze %dma_start3A_282 : memref<1x!tpu.dma_semaphore, #tpu.memory_space<semaphore_mem>> -> memref<!tpu.dma_semaphore, #tpu.memory_space<semaphore_mem>>
        %dma_start3A_284 = arith.constant 0 : i32
        %dma_start3A_285 = tpu.memref_slice %arg6[%add3A_275, %dma_start3A_284] : memref<512x64xf32, #tpu.memory_space<vmem>> -> memref<1x64xf32, #tpu.memory_space<vmem>>
        %dma_start3A_286 = arith.constant 0 : i32
        %dma_start3A_287 = tpu.memref_slice %arg2[%squeeze3A_271, %dma_start3A_286] : memref<1000001x64xf32, #tpu.memory_space<hbm>> -> memref<1x64xf32, #tpu.memory_space<hbm>>
        tpu.enqueue_dma source(%dma_start3A_287 : memref<1x64xf32, #tpu.memory_space<hbm>>) target(%dma_start3A_285 : memref<1x64xf32, #tpu.memory_space<vmem>>) target_semaphore(%dma_start3A_283 : memref<!tpu.dma_semaphore, #tpu.memory_space<semaphore_mem>>)
        %slice3A_288 = vector.extract_strided_slice %get3A_21 {offsets = [15], sizes = [1], strides = [1]} : vector<16xi32> to vector<1xi32>
        %squeeze3A_289 = vector.extract %slice3A_288[0] : i32 from vector<1xi32>
        %mul3A_290 = arith.constant 16 : i32
        %mul3A_291 = arith.muli %add3A_11, %mul3A_290 : i32
        %add3A_292 = arith.constant 15 : i32
        %add3A_293 = arith.addi %mul3A_291, %add3A_292 : i32
        %rem3A_294 = arith.constant 2 : i32
        %rem3A_295 = arith.remsi %add3A_11, %rem3A_294 : i32
        %dma_start3A_296 = arith.constant 0 : i32
        %dma_start3A_297 = tpu.memref_slice %arg6[%add3A_293, %dma_start3A_296] : memref<512x64xf32, #tpu.memory_space<vmem>> -> memref<1x64xf32, #tpu.memory_space<vmem>>
        %dma_start3A_298 = arith.constant 0 : i32
        %dma_start3A_299 = tpu.memref_slice %arg2[%squeeze3A_289, %dma_start3A_298] : memref<1000001x64xf32, #tpu.memory_space<hbm>> -> memref<1x64xf32, #tpu.memory_space<hbm>>
        %dma_start3A_300 = tpu.memref_slice %arg7[%rem3A_295] : memref<2x!tpu.dma_semaphore, #tpu.memory_space<semaphore_mem>> -> memref<1x!tpu.dma_semaphore, #tpu.memory_space<semaphore_mem>>
        %dma_start3A_301 = tpu.memref_squeeze %dma_start3A_300 : memref<1x!tpu.dma_semaphore, #tpu.memory_space<semaphore_mem>> -> memref<!tpu.dma_semaphore, #tpu.memory_space<semaphore_mem>>
        %dma_start3A_302 = arith.constant 0 : i32
        %dma_start3A_303 = tpu.memref_slice %arg6[%add3A_293, %dma_start3A_302] : memref<512x64xf32, #tpu.memory_space<vmem>> -> memref<1x64xf32, #tpu.memory_space<vmem>>
        %dma_start3A_304 = arith.constant 0 : i32
        %dma_start3A_305 = tpu.memref_slice %arg2[%squeeze3A_289, %dma_start3A_304] : memref<1000001x64xf32, #tpu.memory_space<hbm>> -> memref<1x64xf32, #tpu.memory_space<hbm>>
        tpu.enqueue_dma source(%dma_start3A_305 : memref<1x64xf32, #tpu.memory_space<hbm>>) target(%dma_start3A_303 : memref<1x64xf32, #tpu.memory_space<vmem>>) target_semaphore(%dma_start3A_301 : memref<!tpu.dma_semaphore, #tpu.memory_space<semaphore_mem>>)
      } else {
      }
      %gt3A = arith.constant 0 : i32
      %gt3A_14 = arith.cmpi sgt, %add3A_11, %gt3A : i32
      %convert_element_type3A_15 = arith.extui %gt3A_14 : i1 to i32
      %cond3A_16 = arith.constant 0 : i32
      %cond3A_17 = arith.cmpi ne, %convert_element_type3A_15, %cond3A_16 : i32
      scf.if %cond3A_17 {
        %sub3A = arith.constant 1 : i32
        %sub3A_18 = arith.subi %add3A_11, %sub3A : i32
        %rem3A = arith.constant 2 : i32
        %rem3A_19 = arith.remsi %sub3A_18, %rem3A : i32
        %dma_wait3A = arith.constant 0 : i32
        %dma_wait3A_20 = arith.constant 0 : i32
        %dma_wait3A_21 = tpu.memref_slice %arg6[%dma_wait3A, %dma_wait3A_20] : memref<512x64xf32, #tpu.memory_space<vmem>> -> memref<1x64xf32, #tpu.memory_space<vmem>>
        %dma_wait3A_22 = arith.constant 0 : i32
        %dma_wait3A_23 = arith.constant 0 : i32
        %dma_wait3A_24 = tpu.memref_slice %arg2[%dma_wait3A_22, %dma_wait3A_23] : memref<1000001x64xf32, #tpu.memory_space<hbm>> -> memref<1x64xf32, #tpu.memory_space<hbm>>
        %dma_wait3A_25 = tpu.memref_slice %arg7[%rem3A_19] : memref<2x!tpu.dma_semaphore, #tpu.memory_space<semaphore_mem>> -> memref<1x!tpu.dma_semaphore, #tpu.memory_space<semaphore_mem>>
        %dma_wait3A_26 = tpu.memref_squeeze %dma_wait3A_25 : memref<1x!tpu.dma_semaphore, #tpu.memory_space<semaphore_mem>> -> memref<!tpu.dma_semaphore, #tpu.memory_space<semaphore_mem>>
        %dma_wait3A_27 = arith.constant 0 : i32
        %dma_wait3A_28 = arith.constant 0 : i32
        %dma_wait3A_29 = tpu.memref_slice %arg6[%dma_wait3A_27, %dma_wait3A_28] : memref<512x64xf32, #tpu.memory_space<vmem>> -> memref<1x64xf32, #tpu.memory_space<vmem>>
        %dma_wait3A_30 = arith.constant 0 : i32
        %dma_wait3A_31 = arith.constant 0 : i32
        %dma_wait3A_32 = tpu.memref_slice %arg2[%dma_wait3A_30, %dma_wait3A_31] : memref<1000001x64xf32, #tpu.memory_space<hbm>> -> memref<1x64xf32, #tpu.memory_space<hbm>>
        tpu.wait_dma2 semaphore(%dma_wait3A_26 : memref<!tpu.dma_semaphore, #tpu.memory_space<semaphore_mem>>) src(%dma_wait3A_32 : memref<1x64xf32, #tpu.memory_space<hbm>>) dst(%dma_wait3A_29 : memref<1x64xf32, #tpu.memory_space<vmem>>)
        %sub3A_33 = arith.constant 1 : i32
        %sub3A_34 = arith.subi %add3A_11, %sub3A_33 : i32
        %rem3A_35 = arith.constant 2 : i32
        %rem3A_36 = arith.remsi %sub3A_34, %rem3A_35 : i32
        %dma_wait3A_37 = arith.constant 0 : i32
        %dma_wait3A_38 = arith.constant 0 : i32
        %dma_wait3A_39 = tpu.memref_slice %arg6[%dma_wait3A_37, %dma_wait3A_38] : memref<512x64xf32, #tpu.memory_space<vmem>> -> memref<1x64xf32, #tpu.memory_space<vmem>>
        %dma_wait3A_40 = arith.constant 0 : i32
        %dma_wait3A_41 = arith.constant 0 : i32
        %dma_wait3A_42 = tpu.memref_slice %arg2[%dma_wait3A_40, %dma_wait3A_41] : memref<1000001x64xf32, #tpu.memory_space<hbm>> -> memref<1x64xf32, #tpu.memory_space<hbm>>
        %dma_wait3A_43 = tpu.memref_slice %arg7[%rem3A_36] : memref<2x!tpu.dma_semaphore, #tpu.memory_space<semaphore_mem>> -> memref<1x!tpu.dma_semaphore, #tpu.memory_space<semaphore_mem>>
        %dma_wait3A_44 = tpu.memref_squeeze %dma_wait3A_43 : memref<1x!tpu.dma_semaphore, #tpu.memory_space<semaphore_mem>> -> memref<!tpu.dma_semaphore, #tpu.memory_space<semaphore_mem>>
        %dma_wait3A_45 = arith.constant 0 : i32
        %dma_wait3A_46 = arith.constant 0 : i32
        %dma_wait3A_47 = tpu.memref_slice %arg6[%dma_wait3A_45, %dma_wait3A_46] : memref<512x64xf32, #tpu.memory_space<vmem>> -> memref<1x64xf32, #tpu.memory_space<vmem>>
        %dma_wait3A_48 = arith.constant 0 : i32
        %dma_wait3A_49 = arith.constant 0 : i32
        %dma_wait3A_50 = tpu.memref_slice %arg2[%dma_wait3A_48, %dma_wait3A_49] : memref<1000001x64xf32, #tpu.memory_space<hbm>> -> memref<1x64xf32, #tpu.memory_space<hbm>>
        tpu.wait_dma2 semaphore(%dma_wait3A_44 : memref<!tpu.dma_semaphore, #tpu.memory_space<semaphore_mem>>) src(%dma_wait3A_50 : memref<1x64xf32, #tpu.memory_space<hbm>>) dst(%dma_wait3A_47 : memref<1x64xf32, #tpu.memory_space<vmem>>)
        %sub3A_51 = arith.constant 1 : i32
        %sub3A_52 = arith.subi %add3A_11, %sub3A_51 : i32
        %rem3A_53 = arith.constant 2 : i32
        %rem3A_54 = arith.remsi %sub3A_52, %rem3A_53 : i32
        %dma_wait3A_55 = arith.constant 0 : i32
        %dma_wait3A_56 = arith.constant 0 : i32
        %dma_wait3A_57 = tpu.memref_slice %arg6[%dma_wait3A_55, %dma_wait3A_56] : memref<512x64xf32, #tpu.memory_space<vmem>> -> memref<1x64xf32, #tpu.memory_space<vmem>>
        %dma_wait3A_58 = arith.constant 0 : i32
        %dma_wait3A_59 = arith.constant 0 : i32
        %dma_wait3A_60 = tpu.memref_slice %arg2[%dma_wait3A_58, %dma_wait3A_59] : memref<1000001x64xf32, #tpu.memory_space<hbm>> -> memref<1x64xf32, #tpu.memory_space<hbm>>
        %dma_wait3A_61 = tpu.memref_slice %arg7[%rem3A_54] : memref<2x!tpu.dma_semaphore, #tpu.memory_space<semaphore_mem>> -> memref<1x!tpu.dma_semaphore, #tpu.memory_space<semaphore_mem>>
        %dma_wait3A_62 = tpu.memref_squeeze %dma_wait3A_61 : memref<1x!tpu.dma_semaphore, #tpu.memory_space<semaphore_mem>> -> memref<!tpu.dma_semaphore, #tpu.memory_space<semaphore_mem>>
        %dma_wait3A_63 = arith.constant 0 : i32
        %dma_wait3A_64 = arith.constant 0 : i32
        %dma_wait3A_65 = tpu.memref_slice %arg6[%dma_wait3A_63, %dma_wait3A_64] : memref<512x64xf32, #tpu.memory_space<vmem>> -> memref<1x64xf32, #tpu.memory_space<vmem>>
        %dma_wait3A_66 = arith.constant 0 : i32
        %dma_wait3A_67 = arith.constant 0 : i32
        %dma_wait3A_68 = tpu.memref_slice %arg2[%dma_wait3A_66, %dma_wait3A_67] : memref<1000001x64xf32, #tpu.memory_space<hbm>> -> memref<1x64xf32, #tpu.memory_space<hbm>>
        tpu.wait_dma2 semaphore(%dma_wait3A_62 : memref<!tpu.dma_semaphore, #tpu.memory_space<semaphore_mem>>) src(%dma_wait3A_68 : memref<1x64xf32, #tpu.memory_space<hbm>>) dst(%dma_wait3A_65 : memref<1x64xf32, #tpu.memory_space<vmem>>)
        %sub3A_69 = arith.constant 1 : i32
        %sub3A_70 = arith.subi %add3A_11, %sub3A_69 : i32
        %rem3A_71 = arith.constant 2 : i32
        %rem3A_72 = arith.remsi %sub3A_70, %rem3A_71 : i32
        %dma_wait3A_73 = arith.constant 0 : i32
        %dma_wait3A_74 = arith.constant 0 : i32
        %dma_wait3A_75 = tpu.memref_slice %arg6[%dma_wait3A_73, %dma_wait3A_74] : memref<512x64xf32, #tpu.memory_space<vmem>> -> memref<1x64xf32, #tpu.memory_space<vmem>>
        %dma_wait3A_76 = arith.constant 0 : i32
        %dma_wait3A_77 = arith.constant 0 : i32
        %dma_wait3A_78 = tpu.memref_slice %arg2[%dma_wait3A_76, %dma_wait3A_77] : memref<1000001x64xf32, #tpu.memory_space<hbm>> -> memref<1x64xf32, #tpu.memory_space<hbm>>
        %dma_wait3A_79 = tpu.memref_slice %arg7[%rem3A_72] : memref<2x!tpu.dma_semaphore, #tpu.memory_space<semaphore_mem>> -> memref<1x!tpu.dma_semaphore, #tpu.memory_space<semaphore_mem>>
        %dma_wait3A_80 = tpu.memref_squeeze %dma_wait3A_79 : memref<1x!tpu.dma_semaphore, #tpu.memory_space<semaphore_mem>> -> memref<!tpu.dma_semaphore, #tpu.memory_space<semaphore_mem>>
        %dma_wait3A_81 = arith.constant 0 : i32
        %dma_wait3A_82 = arith.constant 0 : i32
        %dma_wait3A_83 = tpu.memref_slice %arg6[%dma_wait3A_81, %dma_wait3A_82] : memref<512x64xf32, #tpu.memory_space<vmem>> -> memref<1x64xf32, #tpu.memory_space<vmem>>
        %dma_wait3A_84 = arith.constant 0 : i32
        %dma_wait3A_85 = arith.constant 0 : i32
        %dma_wait3A_86 = tpu.memref_slice %arg2[%dma_wait3A_84, %dma_wait3A_85] : memref<1000001x64xf32, #tpu.memory_space<hbm>> -> memref<1x64xf32, #tpu.memory_space<hbm>>
        tpu.wait_dma2 semaphore(%dma_wait3A_80 : memref<!tpu.dma_semaphore, #tpu.memory_space<semaphore_mem>>) src(%dma_wait3A_86 : memref<1x64xf32, #tpu.memory_space<hbm>>) dst(%dma_wait3A_83 : memref<1x64xf32, #tpu.memory_space<vmem>>)
        %sub3A_87 = arith.constant 1 : i32
        %sub3A_88 = arith.subi %add3A_11, %sub3A_87 : i32
        %rem3A_89 = arith.constant 2 : i32
        %rem3A_90 = arith.remsi %sub3A_88, %rem3A_89 : i32
        %dma_wait3A_91 = arith.constant 0 : i32
        %dma_wait3A_92 = arith.constant 0 : i32
        %dma_wait3A_93 = tpu.memref_slice %arg6[%dma_wait3A_91, %dma_wait3A_92] : memref<512x64xf32, #tpu.memory_space<vmem>> -> memref<1x64xf32, #tpu.memory_space<vmem>>
        %dma_wait3A_94 = arith.constant 0 : i32
        %dma_wait3A_95 = arith.constant 0 : i32
        %dma_wait3A_96 = tpu.memref_slice %arg2[%dma_wait3A_94, %dma_wait3A_95] : memref<1000001x64xf32, #tpu.memory_space<hbm>> -> memref<1x64xf32, #tpu.memory_space<hbm>>
        %dma_wait3A_97 = tpu.memref_slice %arg7[%rem3A_90] : memref<2x!tpu.dma_semaphore, #tpu.memory_space<semaphore_mem>> -> memref<1x!tpu.dma_semaphore, #tpu.memory_space<semaphore_mem>>
        %dma_wait3A_98 = tpu.memref_squeeze %dma_wait3A_97 : memref<1x!tpu.dma_semaphore, #tpu.memory_space<semaphore_mem>> -> memref<!tpu.dma_semaphore, #tpu.memory_space<semaphore_mem>>
        %dma_wait3A_99 = arith.constant 0 : i32
        %dma_wait3A_100 = arith.constant 0 : i32
        %dma_wait3A_101 = tpu.memref_slice %arg6[%dma_wait3A_99, %dma_wait3A_100] : memref<512x64xf32, #tpu.memory_space<vmem>> -> memref<1x64xf32, #tpu.memory_space<vmem>>
        %dma_wait3A_102 = arith.constant 0 : i32
        %dma_wait3A_103 = arith.constant 0 : i32
        %dma_wait3A_104 = tpu.memref_slice %arg2[%dma_wait3A_102, %dma_wait3A_103] : memref<1000001x64xf32, #tpu.memory_space<hbm>> -> memref<1x64xf32, #tpu.memory_space<hbm>>
        tpu.wait_dma2 semaphore(%dma_wait3A_98 : memref<!tpu.dma_semaphore, #tpu.memory_space<semaphore_mem>>) src(%dma_wait3A_104 : memref<1x64xf32, #tpu.memory_space<hbm>>) dst(%dma_wait3A_101 : memref<1x64xf32, #tpu.memory_space<vmem>>)
        %sub3A_105 = arith.constant 1 : i32
        %sub3A_106 = arith.subi %add3A_11, %sub3A_105 : i32
        %rem3A_107 = arith.constant 2 : i32
        %rem3A_108 = arith.remsi %sub3A_106, %rem3A_107 : i32
        %dma_wait3A_109 = arith.constant 0 : i32
        %dma_wait3A_110 = arith.constant 0 : i32
        %dma_wait3A_111 = tpu.memref_slice %arg6[%dma_wait3A_109, %dma_wait3A_110] : memref<512x64xf32, #tpu.memory_space<vmem>> -> memref<1x64xf32, #tpu.memory_space<vmem>>
        %dma_wait3A_112 = arith.constant 0 : i32
        %dma_wait3A_113 = arith.constant 0 : i32
        %dma_wait3A_114 = tpu.memref_slice %arg2[%dma_wait3A_112, %dma_wait3A_113] : memref<1000001x64xf32, #tpu.memory_space<hbm>> -> memref<1x64xf32, #tpu.memory_space<hbm>>
        %dma_wait3A_115 = tpu.memref_slice %arg7[%rem3A_108] : memref<2x!tpu.dma_semaphore, #tpu.memory_space<semaphore_mem>> -> memref<1x!tpu.dma_semaphore, #tpu.memory_space<semaphore_mem>>
        %dma_wait3A_116 = tpu.memref_squeeze %dma_wait3A_115 : memref<1x!tpu.dma_semaphore, #tpu.memory_space<semaphore_mem>> -> memref<!tpu.dma_semaphore, #tpu.memory_space<semaphore_mem>>
        %dma_wait3A_117 = arith.constant 0 : i32
        %dma_wait3A_118 = arith.constant 0 : i32
        %dma_wait3A_119 = tpu.memref_slice %arg6[%dma_wait3A_117, %dma_wait3A_118] : memref<512x64xf32, #tpu.memory_space<vmem>> -> memref<1x64xf32, #tpu.memory_space<vmem>>
        %dma_wait3A_120 = arith.constant 0 : i32
        %dma_wait3A_121 = arith.constant 0 : i32
        %dma_wait3A_122 = tpu.memref_slice %arg2[%dma_wait3A_120, %dma_wait3A_121] : memref<1000001x64xf32, #tpu.memory_space<hbm>> -> memref<1x64xf32, #tpu.memory_space<hbm>>
        tpu.wait_dma2 semaphore(%dma_wait3A_116 : memref<!tpu.dma_semaphore, #tpu.memory_space<semaphore_mem>>) src(%dma_wait3A_122 : memref<1x64xf32, #tpu.memory_space<hbm>>) dst(%dma_wait3A_119 : memref<1x64xf32, #tpu.memory_space<vmem>>)
        %sub3A_123 = arith.constant 1 : i32
        %sub3A_124 = arith.subi %add3A_11, %sub3A_123 : i32
        %rem3A_125 = arith.constant 2 : i32
        %rem3A_126 = arith.remsi %sub3A_124, %rem3A_125 : i32
        %dma_wait3A_127 = arith.constant 0 : i32
        %dma_wait3A_128 = arith.constant 0 : i32
        %dma_wait3A_129 = tpu.memref_slice %arg6[%dma_wait3A_127, %dma_wait3A_128] : memref<512x64xf32, #tpu.memory_space<vmem>> -> memref<1x64xf32, #tpu.memory_space<vmem>>
        %dma_wait3A_130 = arith.constant 0 : i32
        %dma_wait3A_131 = arith.constant 0 : i32
        %dma_wait3A_132 = tpu.memref_slice %arg2[%dma_wait3A_130, %dma_wait3A_131] : memref<1000001x64xf32, #tpu.memory_space<hbm>> -> memref<1x64xf32, #tpu.memory_space<hbm>>
        %dma_wait3A_133 = tpu.memref_slice %arg7[%rem3A_126] : memref<2x!tpu.dma_semaphore, #tpu.memory_space<semaphore_mem>> -> memref<1x!tpu.dma_semaphore, #tpu.memory_space<semaphore_mem>>
        %dma_wait3A_134 = tpu.memref_squeeze %dma_wait3A_133 : memref<1x!tpu.dma_semaphore, #tpu.memory_space<semaphore_mem>> -> memref<!tpu.dma_semaphore, #tpu.memory_space<semaphore_mem>>
        %dma_wait3A_135 = arith.constant 0 : i32
        %dma_wait3A_136 = arith.constant 0 : i32
        %dma_wait3A_137 = tpu.memref_slice %arg6[%dma_wait3A_135, %dma_wait3A_136] : memref<512x64xf32, #tpu.memory_space<vmem>> -> memref<1x64xf32, #tpu.memory_space<vmem>>
        %dma_wait3A_138 = arith.constant 0 : i32
        %dma_wait3A_139 = arith.constant 0 : i32
        %dma_wait3A_140 = tpu.memref_slice %arg2[%dma_wait3A_138, %dma_wait3A_139] : memref<1000001x64xf32, #tpu.memory_space<hbm>> -> memref<1x64xf32, #tpu.memory_space<hbm>>
        tpu.wait_dma2 semaphore(%dma_wait3A_134 : memref<!tpu.dma_semaphore, #tpu.memory_space<semaphore_mem>>) src(%dma_wait3A_140 : memref<1x64xf32, #tpu.memory_space<hbm>>) dst(%dma_wait3A_137 : memref<1x64xf32, #tpu.memory_space<vmem>>)
        %sub3A_141 = arith.constant 1 : i32
        %sub3A_142 = arith.subi %add3A_11, %sub3A_141 : i32
        %rem3A_143 = arith.constant 2 : i32
        %rem3A_144 = arith.remsi %sub3A_142, %rem3A_143 : i32
        %dma_wait3A_145 = arith.constant 0 : i32
        %dma_wait3A_146 = arith.constant 0 : i32
        %dma_wait3A_147 = tpu.memref_slice %arg6[%dma_wait3A_145, %dma_wait3A_146] : memref<512x64xf32, #tpu.memory_space<vmem>> -> memref<1x64xf32, #tpu.memory_space<vmem>>
        %dma_wait3A_148 = arith.constant 0 : i32
        %dma_wait3A_149 = arith.constant 0 : i32
        %dma_wait3A_150 = tpu.memref_slice %arg2[%dma_wait3A_148, %dma_wait3A_149] : memref<1000001x64xf32, #tpu.memory_space<hbm>> -> memref<1x64xf32, #tpu.memory_space<hbm>>
        %dma_wait3A_151 = tpu.memref_slice %arg7[%rem3A_144] : memref<2x!tpu.dma_semaphore, #tpu.memory_space<semaphore_mem>> -> memref<1x!tpu.dma_semaphore, #tpu.memory_space<semaphore_mem>>
        %dma_wait3A_152 = tpu.memref_squeeze %dma_wait3A_151 : memref<1x!tpu.dma_semaphore, #tpu.memory_space<semaphore_mem>> -> memref<!tpu.dma_semaphore, #tpu.memory_space<semaphore_mem>>
        %dma_wait3A_153 = arith.constant 0 : i32
        %dma_wait3A_154 = arith.constant 0 : i32
        %dma_wait3A_155 = tpu.memref_slice %arg6[%dma_wait3A_153, %dma_wait3A_154] : memref<512x64xf32, #tpu.memory_space<vmem>> -> memref<1x64xf32, #tpu.memory_space<vmem>>
        %dma_wait3A_156 = arith.constant 0 : i32
        %dma_wait3A_157 = arith.constant 0 : i32
        %dma_wait3A_158 = tpu.memref_slice %arg2[%dma_wait3A_156, %dma_wait3A_157] : memref<1000001x64xf32, #tpu.memory_space<hbm>> -> memref<1x64xf32, #tpu.memory_space<hbm>>
        tpu.wait_dma2 semaphore(%dma_wait3A_152 : memref<!tpu.dma_semaphore, #tpu.memory_space<semaphore_mem>>) src(%dma_wait3A_158 : memref<1x64xf32, #tpu.memory_space<hbm>>) dst(%dma_wait3A_155 : memref<1x64xf32, #tpu.memory_space<vmem>>)
        %sub3A_159 = arith.constant 1 : i32
        %sub3A_160 = arith.subi %add3A_11, %sub3A_159 : i32
        %rem3A_161 = arith.constant 2 : i32
        %rem3A_162 = arith.remsi %sub3A_160, %rem3A_161 : i32
        %dma_wait3A_163 = arith.constant 0 : i32
        %dma_wait3A_164 = arith.constant 0 : i32
        %dma_wait3A_165 = tpu.memref_slice %arg6[%dma_wait3A_163, %dma_wait3A_164] : memref<512x64xf32, #tpu.memory_space<vmem>> -> memref<1x64xf32, #tpu.memory_space<vmem>>
        %dma_wait3A_166 = arith.constant 0 : i32
        %dma_wait3A_167 = arith.constant 0 : i32
        %dma_wait3A_168 = tpu.memref_slice %arg2[%dma_wait3A_166, %dma_wait3A_167] : memref<1000001x64xf32, #tpu.memory_space<hbm>> -> memref<1x64xf32, #tpu.memory_space<hbm>>
        %dma_wait3A_169 = tpu.memref_slice %arg7[%rem3A_162] : memref<2x!tpu.dma_semaphore, #tpu.memory_space<semaphore_mem>> -> memref<1x!tpu.dma_semaphore, #tpu.memory_space<semaphore_mem>>
        %dma_wait3A_170 = tpu.memref_squeeze %dma_wait3A_169 : memref<1x!tpu.dma_semaphore, #tpu.memory_space<semaphore_mem>> -> memref<!tpu.dma_semaphore, #tpu.memory_space<semaphore_mem>>
        %dma_wait3A_171 = arith.constant 0 : i32
        %dma_wait3A_172 = arith.constant 0 : i32
        %dma_wait3A_173 = tpu.memref_slice %arg6[%dma_wait3A_171, %dma_wait3A_172] : memref<512x64xf32, #tpu.memory_space<vmem>> -> memref<1x64xf32, #tpu.memory_space<vmem>>
        %dma_wait3A_174 = arith.constant 0 : i32
        %dma_wait3A_175 = arith.constant 0 : i32
        %dma_wait3A_176 = tpu.memref_slice %arg2[%dma_wait3A_174, %dma_wait3A_175] : memref<1000001x64xf32, #tpu.memory_space<hbm>> -> memref<1x64xf32, #tpu.memory_space<hbm>>
        tpu.wait_dma2 semaphore(%dma_wait3A_170 : memref<!tpu.dma_semaphore, #tpu.memory_space<semaphore_mem>>) src(%dma_wait3A_176 : memref<1x64xf32, #tpu.memory_space<hbm>>) dst(%dma_wait3A_173 : memref<1x64xf32, #tpu.memory_space<vmem>>)
        %sub3A_177 = arith.constant 1 : i32
        %sub3A_178 = arith.subi %add3A_11, %sub3A_177 : i32
        %rem3A_179 = arith.constant 2 : i32
        %rem3A_180 = arith.remsi %sub3A_178, %rem3A_179 : i32
        %dma_wait3A_181 = arith.constant 0 : i32
        %dma_wait3A_182 = arith.constant 0 : i32
        %dma_wait3A_183 = tpu.memref_slice %arg6[%dma_wait3A_181, %dma_wait3A_182] : memref<512x64xf32, #tpu.memory_space<vmem>> -> memref<1x64xf32, #tpu.memory_space<vmem>>
        %dma_wait3A_184 = arith.constant 0 : i32
        %dma_wait3A_185 = arith.constant 0 : i32
        %dma_wait3A_186 = tpu.memref_slice %arg2[%dma_wait3A_184, %dma_wait3A_185] : memref<1000001x64xf32, #tpu.memory_space<hbm>> -> memref<1x64xf32, #tpu.memory_space<hbm>>
        %dma_wait3A_187 = tpu.memref_slice %arg7[%rem3A_180] : memref<2x!tpu.dma_semaphore, #tpu.memory_space<semaphore_mem>> -> memref<1x!tpu.dma_semaphore, #tpu.memory_space<semaphore_mem>>
        %dma_wait3A_188 = tpu.memref_squeeze %dma_wait3A_187 : memref<1x!tpu.dma_semaphore, #tpu.memory_space<semaphore_mem>> -> memref<!tpu.dma_semaphore, #tpu.memory_space<semaphore_mem>>
        %dma_wait3A_189 = arith.constant 0 : i32
        %dma_wait3A_190 = arith.constant 0 : i32
        %dma_wait3A_191 = tpu.memref_slice %arg6[%dma_wait3A_189, %dma_wait3A_190] : memref<512x64xf32, #tpu.memory_space<vmem>> -> memref<1x64xf32, #tpu.memory_space<vmem>>
        %dma_wait3A_192 = arith.constant 0 : i32
        %dma_wait3A_193 = arith.constant 0 : i32
        %dma_wait3A_194 = tpu.memref_slice %arg2[%dma_wait3A_192, %dma_wait3A_193] : memref<1000001x64xf32, #tpu.memory_space<hbm>> -> memref<1x64xf32, #tpu.memory_space<hbm>>
        tpu.wait_dma2 semaphore(%dma_wait3A_188 : memref<!tpu.dma_semaphore, #tpu.memory_space<semaphore_mem>>) src(%dma_wait3A_194 : memref<1x64xf32, #tpu.memory_space<hbm>>) dst(%dma_wait3A_191 : memref<1x64xf32, #tpu.memory_space<vmem>>)
        %sub3A_195 = arith.constant 1 : i32
        %sub3A_196 = arith.subi %add3A_11, %sub3A_195 : i32
        %rem3A_197 = arith.constant 2 : i32
        %rem3A_198 = arith.remsi %sub3A_196, %rem3A_197 : i32
        %dma_wait3A_199 = arith.constant 0 : i32
        %dma_wait3A_200 = arith.constant 0 : i32
        %dma_wait3A_201 = tpu.memref_slice %arg6[%dma_wait3A_199, %dma_wait3A_200] : memref<512x64xf32, #tpu.memory_space<vmem>> -> memref<1x64xf32, #tpu.memory_space<vmem>>
        %dma_wait3A_202 = arith.constant 0 : i32
        %dma_wait3A_203 = arith.constant 0 : i32
        %dma_wait3A_204 = tpu.memref_slice %arg2[%dma_wait3A_202, %dma_wait3A_203] : memref<1000001x64xf32, #tpu.memory_space<hbm>> -> memref<1x64xf32, #tpu.memory_space<hbm>>
        %dma_wait3A_205 = tpu.memref_slice %arg7[%rem3A_198] : memref<2x!tpu.dma_semaphore, #tpu.memory_space<semaphore_mem>> -> memref<1x!tpu.dma_semaphore, #tpu.memory_space<semaphore_mem>>
        %dma_wait3A_206 = tpu.memref_squeeze %dma_wait3A_205 : memref<1x!tpu.dma_semaphore, #tpu.memory_space<semaphore_mem>> -> memref<!tpu.dma_semaphore, #tpu.memory_space<semaphore_mem>>
        %dma_wait3A_207 = arith.constant 0 : i32
        %dma_wait3A_208 = arith.constant 0 : i32
        %dma_wait3A_209 = tpu.memref_slice %arg6[%dma_wait3A_207, %dma_wait3A_208] : memref<512x64xf32, #tpu.memory_space<vmem>> -> memref<1x64xf32, #tpu.memory_space<vmem>>
        %dma_wait3A_210 = arith.constant 0 : i32
        %dma_wait3A_211 = arith.constant 0 : i32
        %dma_wait3A_212 = tpu.memref_slice %arg2[%dma_wait3A_210, %dma_wait3A_211] : memref<1000001x64xf32, #tpu.memory_space<hbm>> -> memref<1x64xf32, #tpu.memory_space<hbm>>
        tpu.wait_dma2 semaphore(%dma_wait3A_206 : memref<!tpu.dma_semaphore, #tpu.memory_space<semaphore_mem>>) src(%dma_wait3A_212 : memref<1x64xf32, #tpu.memory_space<hbm>>) dst(%dma_wait3A_209 : memref<1x64xf32, #tpu.memory_space<vmem>>)
        %sub3A_213 = arith.constant 1 : i32
        %sub3A_214 = arith.subi %add3A_11, %sub3A_213 : i32
        %rem3A_215 = arith.constant 2 : i32
        %rem3A_216 = arith.remsi %sub3A_214, %rem3A_215 : i32
        %dma_wait3A_217 = arith.constant 0 : i32
        %dma_wait3A_218 = arith.constant 0 : i32
        %dma_wait3A_219 = tpu.memref_slice %arg6[%dma_wait3A_217, %dma_wait3A_218] : memref<512x64xf32, #tpu.memory_space<vmem>> -> memref<1x64xf32, #tpu.memory_space<vmem>>
        %dma_wait3A_220 = arith.constant 0 : i32
        %dma_wait3A_221 = arith.constant 0 : i32
        %dma_wait3A_222 = tpu.memref_slice %arg2[%dma_wait3A_220, %dma_wait3A_221] : memref<1000001x64xf32, #tpu.memory_space<hbm>> -> memref<1x64xf32, #tpu.memory_space<hbm>>
        %dma_wait3A_223 = tpu.memref_slice %arg7[%rem3A_216] : memref<2x!tpu.dma_semaphore, #tpu.memory_space<semaphore_mem>> -> memref<1x!tpu.dma_semaphore, #tpu.memory_space<semaphore_mem>>
        %dma_wait3A_224 = tpu.memref_squeeze %dma_wait3A_223 : memref<1x!tpu.dma_semaphore, #tpu.memory_space<semaphore_mem>> -> memref<!tpu.dma_semaphore, #tpu.memory_space<semaphore_mem>>
        %dma_wait3A_225 = arith.constant 0 : i32
        %dma_wait3A_226 = arith.constant 0 : i32
        %dma_wait3A_227 = tpu.memref_slice %arg6[%dma_wait3A_225, %dma_wait3A_226] : memref<512x64xf32, #tpu.memory_space<vmem>> -> memref<1x64xf32, #tpu.memory_space<vmem>>
        %dma_wait3A_228 = arith.constant 0 : i32
        %dma_wait3A_229 = arith.constant 0 : i32
        %dma_wait3A_230 = tpu.memref_slice %arg2[%dma_wait3A_228, %dma_wait3A_229] : memref<1000001x64xf32, #tpu.memory_space<hbm>> -> memref<1x64xf32, #tpu.memory_space<hbm>>
        tpu.wait_dma2 semaphore(%dma_wait3A_224 : memref<!tpu.dma_semaphore, #tpu.memory_space<semaphore_mem>>) src(%dma_wait3A_230 : memref<1x64xf32, #tpu.memory_space<hbm>>) dst(%dma_wait3A_227 : memref<1x64xf32, #tpu.memory_space<vmem>>)
        %sub3A_231 = arith.constant 1 : i32
        %sub3A_232 = arith.subi %add3A_11, %sub3A_231 : i32
        %rem3A_233 = arith.constant 2 : i32
        %rem3A_234 = arith.remsi %sub3A_232, %rem3A_233 : i32
        %dma_wait3A_235 = arith.constant 0 : i32
        %dma_wait3A_236 = arith.constant 0 : i32
        %dma_wait3A_237 = tpu.memref_slice %arg6[%dma_wait3A_235, %dma_wait3A_236] : memref<512x64xf32, #tpu.memory_space<vmem>> -> memref<1x64xf32, #tpu.memory_space<vmem>>
        %dma_wait3A_238 = arith.constant 0 : i32
        %dma_wait3A_239 = arith.constant 0 : i32
        %dma_wait3A_240 = tpu.memref_slice %arg2[%dma_wait3A_238, %dma_wait3A_239] : memref<1000001x64xf32, #tpu.memory_space<hbm>> -> memref<1x64xf32, #tpu.memory_space<hbm>>
        %dma_wait3A_241 = tpu.memref_slice %arg7[%rem3A_234] : memref<2x!tpu.dma_semaphore, #tpu.memory_space<semaphore_mem>> -> memref<1x!tpu.dma_semaphore, #tpu.memory_space<semaphore_mem>>
        %dma_wait3A_242 = tpu.memref_squeeze %dma_wait3A_241 : memref<1x!tpu.dma_semaphore, #tpu.memory_space<semaphore_mem>> -> memref<!tpu.dma_semaphore, #tpu.memory_space<semaphore_mem>>
        %dma_wait3A_243 = arith.constant 0 : i32
        %dma_wait3A_244 = arith.constant 0 : i32
        %dma_wait3A_245 = tpu.memref_slice %arg6[%dma_wait3A_243, %dma_wait3A_244] : memref<512x64xf32, #tpu.memory_space<vmem>> -> memref<1x64xf32, #tpu.memory_space<vmem>>
        %dma_wait3A_246 = arith.constant 0 : i32
        %dma_wait3A_247 = arith.constant 0 : i32
        %dma_wait3A_248 = tpu.memref_slice %arg2[%dma_wait3A_246, %dma_wait3A_247] : memref<1000001x64xf32, #tpu.memory_space<hbm>> -> memref<1x64xf32, #tpu.memory_space<hbm>>
        tpu.wait_dma2 semaphore(%dma_wait3A_242 : memref<!tpu.dma_semaphore, #tpu.memory_space<semaphore_mem>>) src(%dma_wait3A_248 : memref<1x64xf32, #tpu.memory_space<hbm>>) dst(%dma_wait3A_245 : memref<1x64xf32, #tpu.memory_space<vmem>>)
        %sub3A_249 = arith.constant 1 : i32
        %sub3A_250 = arith.subi %add3A_11, %sub3A_249 : i32
        %rem3A_251 = arith.constant 2 : i32
        %rem3A_252 = arith.remsi %sub3A_250, %rem3A_251 : i32
        %dma_wait3A_253 = arith.constant 0 : i32
        %dma_wait3A_254 = arith.constant 0 : i32
        %dma_wait3A_255 = tpu.memref_slice %arg6[%dma_wait3A_253, %dma_wait3A_254] : memref<512x64xf32, #tpu.memory_space<vmem>> -> memref<1x64xf32, #tpu.memory_space<vmem>>
        %dma_wait3A_256 = arith.constant 0 : i32
        %dma_wait3A_257 = arith.constant 0 : i32
        %dma_wait3A_258 = tpu.memref_slice %arg2[%dma_wait3A_256, %dma_wait3A_257] : memref<1000001x64xf32, #tpu.memory_space<hbm>> -> memref<1x64xf32, #tpu.memory_space<hbm>>
        %dma_wait3A_259 = tpu.memref_slice %arg7[%rem3A_252] : memref<2x!tpu.dma_semaphore, #tpu.memory_space<semaphore_mem>> -> memref<1x!tpu.dma_semaphore, #tpu.memory_space<semaphore_mem>>
        %dma_wait3A_260 = tpu.memref_squeeze %dma_wait3A_259 : memref<1x!tpu.dma_semaphore, #tpu.memory_space<semaphore_mem>> -> memref<!tpu.dma_semaphore, #tpu.memory_space<semaphore_mem>>
        %dma_wait3A_261 = arith.constant 0 : i32
        %dma_wait3A_262 = arith.constant 0 : i32
        %dma_wait3A_263 = tpu.memref_slice %arg6[%dma_wait3A_261, %dma_wait3A_262] : memref<512x64xf32, #tpu.memory_space<vmem>> -> memref<1x64xf32, #tpu.memory_space<vmem>>
        %dma_wait3A_264 = arith.constant 0 : i32
        %dma_wait3A_265 = arith.constant 0 : i32
        %dma_wait3A_266 = tpu.memref_slice %arg2[%dma_wait3A_264, %dma_wait3A_265] : memref<1000001x64xf32, #tpu.memory_space<hbm>> -> memref<1x64xf32, #tpu.memory_space<hbm>>
        tpu.wait_dma2 semaphore(%dma_wait3A_260 : memref<!tpu.dma_semaphore, #tpu.memory_space<semaphore_mem>>) src(%dma_wait3A_266 : memref<1x64xf32, #tpu.memory_space<hbm>>) dst(%dma_wait3A_263 : memref<1x64xf32, #tpu.memory_space<vmem>>)
        %sub3A_267 = arith.constant 1 : i32
        %sub3A_268 = arith.subi %add3A_11, %sub3A_267 : i32
        %rem3A_269 = arith.constant 2 : i32
        %rem3A_270 = arith.remsi %sub3A_268, %rem3A_269 : i32
        %dma_wait3A_271 = arith.constant 0 : i32
        %dma_wait3A_272 = arith.constant 0 : i32
        %dma_wait3A_273 = tpu.memref_slice %arg6[%dma_wait3A_271, %dma_wait3A_272] : memref<512x64xf32, #tpu.memory_space<vmem>> -> memref<1x64xf32, #tpu.memory_space<vmem>>
        %dma_wait3A_274 = arith.constant 0 : i32
        %dma_wait3A_275 = arith.constant 0 : i32
        %dma_wait3A_276 = tpu.memref_slice %arg2[%dma_wait3A_274, %dma_wait3A_275] : memref<1000001x64xf32, #tpu.memory_space<hbm>> -> memref<1x64xf32, #tpu.memory_space<hbm>>
        %dma_wait3A_277 = tpu.memref_slice %arg7[%rem3A_270] : memref<2x!tpu.dma_semaphore, #tpu.memory_space<semaphore_mem>> -> memref<1x!tpu.dma_semaphore, #tpu.memory_space<semaphore_mem>>
        %dma_wait3A_278 = tpu.memref_squeeze %dma_wait3A_277 : memref<1x!tpu.dma_semaphore, #tpu.memory_space<semaphore_mem>> -> memref<!tpu.dma_semaphore, #tpu.memory_space<semaphore_mem>>
        %dma_wait3A_279 = arith.constant 0 : i32
        %dma_wait3A_280 = arith.constant 0 : i32
        %dma_wait3A_281 = tpu.memref_slice %arg6[%dma_wait3A_279, %dma_wait3A_280] : memref<512x64xf32, #tpu.memory_space<vmem>> -> memref<1x64xf32, #tpu.memory_space<vmem>>
        %dma_wait3A_282 = arith.constant 0 : i32
        %dma_wait3A_283 = arith.constant 0 : i32
        %dma_wait3A_284 = tpu.memref_slice %arg2[%dma_wait3A_282, %dma_wait3A_283] : memref<1000001x64xf32, #tpu.memory_space<hbm>> -> memref<1x64xf32, #tpu.memory_space<hbm>>
        tpu.wait_dma2 semaphore(%dma_wait3A_278 : memref<!tpu.dma_semaphore, #tpu.memory_space<semaphore_mem>>) src(%dma_wait3A_284 : memref<1x64xf32, #tpu.memory_space<hbm>>) dst(%dma_wait3A_281 : memref<1x64xf32, #tpu.memory_space<vmem>>)
        %sub3A_285 = arith.constant 1 : i32
        %sub3A_286 = arith.subi %add3A_11, %sub3A_285 : i32
        %rem3A_287 = arith.constant 2 : i32
        %rem3A_288 = arith.remsi %sub3A_286, %rem3A_287 : i32
        %dma_wait3A_289 = arith.constant 0 : i32
        %dma_wait3A_290 = arith.constant 0 : i32
        %dma_wait3A_291 = tpu.memref_slice %arg6[%dma_wait3A_289, %dma_wait3A_290] : memref<512x64xf32, #tpu.memory_space<vmem>> -> memref<1x64xf32, #tpu.memory_space<vmem>>
        %dma_wait3A_292 = arith.constant 0 : i32
        %dma_wait3A_293 = arith.constant 0 : i32
        %dma_wait3A_294 = tpu.memref_slice %arg2[%dma_wait3A_292, %dma_wait3A_293] : memref<1000001x64xf32, #tpu.memory_space<hbm>> -> memref<1x64xf32, #tpu.memory_space<hbm>>
        %dma_wait3A_295 = tpu.memref_slice %arg7[%rem3A_288] : memref<2x!tpu.dma_semaphore, #tpu.memory_space<semaphore_mem>> -> memref<1x!tpu.dma_semaphore, #tpu.memory_space<semaphore_mem>>
        %dma_wait3A_296 = tpu.memref_squeeze %dma_wait3A_295 : memref<1x!tpu.dma_semaphore, #tpu.memory_space<semaphore_mem>> -> memref<!tpu.dma_semaphore, #tpu.memory_space<semaphore_mem>>
        %dma_wait3A_297 = arith.constant 0 : i32
        %dma_wait3A_298 = arith.constant 0 : i32
        %dma_wait3A_299 = tpu.memref_slice %arg6[%dma_wait3A_297, %dma_wait3A_298] : memref<512x64xf32, #tpu.memory_space<vmem>> -> memref<1x64xf32, #tpu.memory_space<vmem>>
        %dma_wait3A_300 = arith.constant 0 : i32
        %dma_wait3A_301 = arith.constant 0 : i32
        %dma_wait3A_302 = tpu.memref_slice %arg2[%dma_wait3A_300, %dma_wait3A_301] : memref<1000001x64xf32, #tpu.memory_space<hbm>> -> memref<1x64xf32, #tpu.memory_space<hbm>>
        tpu.wait_dma2 semaphore(%dma_wait3A_296 : memref<!tpu.dma_semaphore, #tpu.memory_space<semaphore_mem>>) src(%dma_wait3A_302 : memref<1x64xf32, #tpu.memory_space<hbm>>) dst(%dma_wait3A_299 : memref<1x64xf32, #tpu.memory_space<vmem>>)
      } else {
      }
    }
    %scan3A_6 = arith.constant 33 : i32
    "tpu.region"() ({
      %run_scoped3A = tpu.sem_alloc : memref<!tpu.dma_semaphore, #tpu.memory_space<semaphore_mem>>
      %dma_start3A = arith.constant 0 : i32
      %dma_start3A_7 = tpu.memref_slice %arg4[%mul3A_2, %dma_start3A] : memref<16384x64xf32, #tpu.memory_space<hbm>> -> memref<512x64xf32, #tpu.memory_space<hbm>>
      %dma_start3A_8 = arith.constant 0 : i32
      %dma_start3A_9 = tpu.memref_slice %arg4[%mul3A_2, %dma_start3A_8] : memref<16384x64xf32, #tpu.memory_space<hbm>> -> memref<512x64xf32, #tpu.memory_space<hbm>>
      tpu.enqueue_dma source(%arg6 : memref<512x64xf32, #tpu.memory_space<vmem>>) target(%dma_start3A_9 : memref<512x64xf32, #tpu.memory_space<hbm>>) target_semaphore(%run_scoped3A : memref<!tpu.dma_semaphore, #tpu.memory_space<semaphore_mem>>)
      %dma_wait3A = arith.constant 0 : i32
      %dma_wait3A_10 = tpu.memref_slice %arg4[%mul3A_2, %dma_wait3A] : memref<16384x64xf32, #tpu.memory_space<hbm>> -> memref<512x64xf32, #tpu.memory_space<hbm>>
      %dma_wait3A_11 = arith.constant 0 : i32
      %dma_wait3A_12 = tpu.memref_slice %arg4[%mul3A_2, %dma_wait3A_11] : memref<16384x64xf32, #tpu.memory_space<hbm>> -> memref<512x64xf32, #tpu.memory_space<hbm>>
      tpu.wait_dma2 semaphore(%run_scoped3A : memref<!tpu.dma_semaphore, #tpu.memory_space<semaphore_mem>>) src(%arg6 : memref<512x64xf32, #tpu.memory_space<vmem>>) dst(%dma_wait3A_12 : memref<512x64xf32, #tpu.memory_space<hbm>>)
      tpu.yield
    }) : () -> ()
    return
  }
}

</mosaic_0001>

<sc_bundles>
// kernel: kernel.3.cloned.1.call-start
scs
__scs_entry_jumppad:
0x0: {  	(pc) =	sbr.rel $0x88, $3  }
0x1: {  	(tag) =	ssettag $0x0;
	lr =	simm.s32 $0x1  }
0x2: {  	[smem:$0x3F9F] =	sst lr;
	_ =	strace $0xD0000000  }
0x3: {  	_ = 	snop  }
0x4: {  	_ = 	snop  }
0x5: {  	_ = 	snop  }
0x6: {  	_ = 	snop  }
0x7: {  	_ = 	snop  }
__scs_overlays_trampoline_lowered:
0x8: {  	[smem:$0x3FAE] =	sst s0  }
0x9: {  	[smem:$0x3FAF] =	sst s1  }
0xa: {  	[smem:$0x3FB0] =	sst s2  }
0xb: {  	[smem:$0x3FB1] =	sst s3  }
0xc: {  	[smem:$0x3FB2] =	sst s4  }
0xd: {  	[smem:$0x3FB3] =	sst s5  }
0xe: {  	[smem:$0x3FB4] =	sst s6  }
0xf: {  	[smem:$0x3FB5] =	sst s7  }
0x10: {  	[smem:$0x3FB6] =	sst s8  }
0x11: {  	[smem:$0x3FB7] =	sst s9;
	s0 =	simm.s32 @!p0 $0x0  }
0x12: {  	s1 =	sld [smem:$0x3F9D];
	s0 =	simm.s32 @p0 $0x1  }
0x13: {  	[smem:$0x3FB8] =	sst s0;
	s0 =	simm.s32 @!p1 $0x0  }
0x14: {  	s2 =	sld [smem:$0x3F9C];
	s0 =	simm.s32 @p1 $0x1  }
0x15: {  	[smem:$0x3FB9] =	sst s0;
	s0 =	simm.s32 @!p2 $0x0  }
0x16: {  	s3 =	sld [smem:$0x3FDB];
	s0 =	simm.s32 @p2 $0x1  }
0x17: {  	s4 =	simm.s32 $0x1BF5;
	[smem:$0x3FBB] =	sst s0  }
0x18: {  	s0 =	sld [smem:$0x3F9E];
	_ =	swait.ge [sflag:s4], $0x0  }
0x19: {  	s7 =	sld [smem:$0x3F9F]  }
0x1a: {  	s8 =	sadd.s32 $0xFFFFE003, lr  }
0x1b: {  	s9 =	sadd.s32 $0xFFFFFEF7, lr;
	s5 =	simm.s32 $0xFFFFFFFF;
	p2 =	slt.u32 s8, $0xFFFFF086  }
0x1c: {  	p1 =	slt.u32 s9, $0xF7A;
	s5 =	simm.s32 @!p2 $0x0  }
0x1d: {  	s5 =	simm.s32 @p1 $0x1;
	p0 =	seq.s32 s7, s2  }
0x1e: {  	s7 =	smul.u32 @!p0 $0xF7A, s2;
	p2 =	seq.s32 @!p0 s5, $0x0  }
0x1f: {  	s9 =	smul.u32 $0xF7A, s1;
	s8 =	simm.s32 @!p0 $0x1BF5;
	p2 =	por !p2, p0  }
0x20: {  	[sflag:s8] =	ssyncset.s32 @!p0 $0xFFFFF086;
	s6 =	sadd.s32 @!p0 s3, s7;
	s7 =	simm.s32 @!p0 $0x108  }
0x21: {  	s3 =	sadd.s32 s3, s9;
	s6 =	sadd.s32 @!p0 $0x88, s6;
	s7 =	simm.s32 @p2 $0x1082  }
0x22: {  	[simem:s7], [sflag:s8] =	dma.local @!p0 [hbm:s6], $0xF7A  }
0x23: {  	s9 =	sor.u32 $0xD0000000, s2;
	s6 =	simm.s32 $0x108;
	_ =	swait.ge @!p0 [sflag:s8], $0x0  }
0x24: {  	s3 =	sadd.s32 $0x88, s3;
	s6 =	simm.s32 @!p1 $0x1082;
	[sflag:s4] =	ssyncset.s32 $0xFFFFF086  }
0x25: {  	[simem:s6], [sflag:s4] =	dma.local [hbm:s3], $0xF7A  }
0x26: {  	[smem:$0x3F9F] =	sst s1;
	(tag) =	ssettag s2;
	_ =	strace s9  }
0x27: {  	s1 =	sld [smem:$0x3FAF]  }
0x28: {  	s2 =	sld [smem:$0x3FB0]  }
0x29: {  	s4 =	sld [smem:$0x3FB2]  }
0x2a: {  	p0 =	seq.s32 s5, $0x0;
	s5 =	sld [smem:$0x3FB3]  }
0x2b: {  	s6 =	sld [smem:$0x3FB4]  }
0x2c: {  	s7 =	sld [smem:$0x3FB5]  }
0x2d: {  	s3 =	simm.s32 $0x108;
	s8 =	sld [smem:$0x3FB6]  }
0x2e: {  	s3 =	simm.s32 @!p0 $0x1082;
	s9 =	sld [smem:$0x3FB7]  }
0x2f: {  	lr =	sadd.s32 s0, s3;
	s0 =	sld [smem:$0x3FAE]  }
0x30: {  	s3 =	sld [smem:$0x3FB1]  }
0x31: {  	[smem:$0x3FBA] =	sst s10  }
0x32: {  	s10 =	sld [smem:$0x3FB8];
	_ =	sdelay $0x3  }
0x33: {  	p0 =	seq.s32 s10, $0x1;
	s10 =	sld [smem:$0x3FBA];
	_ =	sdelay $0x3  }
0x34: {  	[smem:$0x3FBA] =	sst s10  }
0x35: {  	s10 =	sld [smem:$0x3FB9];
	_ =	sdelay $0x3  }
0x36: {  	p1 =	seq.s32 s10, $0x1;
	s10 =	sld [smem:$0x3FBA];
	_ =	sdelay $0x3  }
0x37: {  	[smem:$0x3FBA] =	sst s10  }
0x38: {  	s10 =	sld [smem:$0x3FBB]  }
0x39: {  	_ = 	snop;
	(pc) =	sbr.ind lr, $3  }
0x3a: {  	_ = 	snop  }
0x3b: {  	_ = 	snop  }
0x3c: {  	p2 =	seq.s32 s10, $0x1;
	s10 =	sld [smem:$0x3FBA]  }
0x3d: {  	_ =	shalt  }
0x3e: {  	_ =	shalt  }
0x3f: {  	_ =	shalt  }
0x40: {  	_ =	shalt  }
0x41: {  	_ =	shalt  }
0x42: {  	_ =	shalt  }
0x43: {  	_ =	shalt  }
0x44: {  	_ =	shalt  }
0x45: {  	_ =	shalt  }
0x46: {  	_ =	shalt  }
0x47: {  	_ =	shalt  }
0x48: {  	_ =	shalt  }
0x49: {  	_ =	shalt  }
0x4a: {  	_ =	shalt  }
0x4b: {  	_ =	shalt  }
0x4c: {  	_ =	shalt  }
0x4d: {  	_ =	shalt  }
0x4e: {  	_ =	shalt  }
0x4f: {  	_ =	shalt  }
0x50: {  	_ =	shalt  }
0x51: {  	_ =	shalt  }
0x52: {  	_ =	shalt  }
0x53: {  	_ =	shalt  }
0x54: {  	_ =	shalt  }
0x55: {  	_ =	shalt  }
0x56: {  	_ =	shalt  }
0x57: {  	_ =	shalt  }
0x58: {  	_ =	shalt  }
0x59: {  	_ =	shalt  }
0x5a: {  	_ =	shalt  }
0x5b: {  	_ =	shalt  }
0x5c: {  	_ =	shalt  }
0x5d: {  	_ =	shalt  }
0x5e: {  	_ =	shalt  }
0x5f: {  	_ =	shalt  }
0x60: {  	_ =	shalt  }
0x61: {  	_ =	shalt  }
0x62: {  	_ =	shalt  }
0x63: {  	_ =	shalt  }
0x64: {  	_ =	shalt  }
0x65: {  	_ =	shalt  }
0x66: {  	_ =	shalt  }
0x67: {  	_ =	shalt  }
0x68: {  	_ =	shalt  }
0x69: {  	_ =	shalt  }
0x6a: {  	_ =	shalt  }
0x6b: {  	_ =	shalt  }
0x6c: {  	_ =	shalt  }
0x6d: {  	_ =	shalt  }
0x6e: {  	_ =	shalt  }
0x6f: {  	_ =	shalt  }
0x70: {  	_ =	shalt  }
0x71: {  	_ =	shalt  }
0x72: {  	_ =	shalt  }
0x73: {  	_ =	shalt  }
0x74: {  	_ =	shalt  }
0x75: {  	_ =	shalt  }
0x76: {  	_ =	shalt  }
0x77: {  	_ =	shalt  }
0x78: {  	_ =	shalt  }
0x79: {  	_ =	shalt  }
0x7a: {  	_ =	shalt  }
0x7b: {  	_ =	shalt  }
0x7c: {  	_ =	shalt  }
0x7d: {  	_ =	shalt  }
0x7e: {  	_ =	shalt  }
0x7f: {  	_ =	shalt  }
0x80: {  	_ =	shalt  }
0x81: {  	_ =	shalt  }
0x82: {  	_ =	shalt  }
0x83: {  	_ =	shalt  }
0x84: {  	_ =	shalt  }
0x85: {  	_ =	shalt  }
0x86: {  	_ =	shalt  }
0x87: {  	_ =	shalt  }
.Lfunc_end0:
.L_simem_size_0:
called_computation_lowered:
.L_overlay_start_0:
0x88: {  	s2 =	sld [smem:$0x3FD9]  }
0x89: {  	s3 =	sld [smem:$0x3FFE];
	_ =	sdelay $0x1  }
0x8a: {  	s1 =	srdreg.scid  }
0x8b: {  	s0 =	sand.u32 $0x1, s1  }
0x8c: {  	s17 =	sshll.u32 s0, $0xA;
	s2 =	sadd.s32 s3, s2  }
0x8d: {  	s2 =	sadd.s32 s2, s17  }
0x8e: {  	[smem:$0x3FC6] =	sst s2  }
0x8f: {  	_ = 	snop  }
0x90: {  	s2 =	sld [smem:$0x3FD0];
	(tm) =	ssettm $0x1  }
0x91: {  	s18 =	sld [smem:$0x3FFB];
	_ =	sdelay $0x3  }
0x92: {  	_ =	strace s18  }
0x93: {  	s3 =	sld [smem:$0x3FFC];
	_ =	sdelay $0x3  }
0x94: {  	_ =	strace s3  }
0x95: {  	s3 =	sld [smem:$0x3FFD];
	_ =	sdelay $0x3  }
0x96: {  	_ =	strace s3  }
0x97: {  	_ =	strace $0x8FFFFFFF  }
0x98: {  	s19 =	sld [smem:$0x3FDB];
	_ =	sdelay $0x1  }
0x99: {  	s4 =	simm.s32 $_scs_section_size  }
0x9a: {  	s5 =	simm.s32 $_size__tile_overlayer_lowered;
	s6 =	simm.s32 $_tile_overlayer_lowered  }
0x9b: {  	s22 =	simm.s32 $0x1BFF;
	s21 =	sshll.u32 s6, $0x1;
	s3 =	sadd.s32 s4, s19  }
0x9c: {  	s7 =	simm.s32 $0x0;
	s20 =	sshll.u32 s5, $0x1;
	s5 =	sadd.s32 s21, s3  }
0x9d: {  	[timem:s7], [sflag:s22] =	dma.local [hbm:s5], s20  }
0x9e: {  	_ =	swait.ge [sflag:s22], s20  }
0x9f: {  	s4 =	ssub.s32 $0x0, s20;
	[sflag:s22] =	ssyncset.done $0x0  }
0xa0: {  	[sflag:s22] =	ssyncadd.s32 s4;
	_ =	sdelay $0x1  }
0xa1: {  	s23 =	simm.s32 $0x1B8B  }
0xa2: {  	_ =	swait.ge [sflag:s23], $0x1  }
0xa3: {  	[sflag:s23] =	ssyncset.done $0x0  }
0xa4: {  	s25 =	simm.s32 $0x1B8E;
	s24 =	sld [smem:$0x3FFE];
	[sflag:s23] =	ssyncadd.s32 $0xFFFFFFFF  }
0xa5: {  	s26 =	simm.s32 $execute0_lowered;
	[smem:$0x3FD2] =	sst s25  }
0xa6: {  	s5 =	sshll.u32 s26, $0x1;
	_ =	strace $0x80000046;
	[dreg:$0x1] =	wrdreg $0xFFFFFFFF  }
0xa7: {  	s28 =	simm.s32 $_size_execute0_lowered;
	s3 =	sadd.s32 s3, s5;
	[dreg:$0x0] =	wrdreg $0x0  }
0xa8: {  	s5 =	sshll.u32 s28, $0x1;
	[dreg:$0x2] =	wrdreg s3  }
0xa9: {  	[dreg:$0x3] =	wrdreg s5  }
0xaa: {  	[dreg:$0x4] =	wrdreg $0xC0  }
0xab: {  	_ =	task [dreg:s7], $0x5FFFF  }
0xac: {  	[dreg:$0x1] =	wrdreg $0xFFFFFFFF  }
0xad: {  	[dreg:$0x0] =	wrdreg $0x60  }
0xae: {  	[dreg:$0x2] =	wrdreg s24  }
0xaf: {  	[dreg:$0x3] =	wrdreg s2  }
0xb0: {  	[dreg:$0x4] =	wrdreg $0x9  }
0xb1: {  	_ =	task.clear_ibuf [dreg:s7], $0x5FFFF;
	_ =	strace $0x90000046  }
0xb2: {  	s29 =	simm.s32 $0x9;
	_ =	strace $0x80000048  }
0xb3: {  	_ =	swait.ge [sflag:s29], $0x1  }
0xb4: {  	[sflag:s29] =	ssyncadd.s32 $0xFFFFFFFF  }
0xb5: {  	_ =	strace $0x90000048  }
0xb6: {  	_ =	sfence  }
0xb7: {  	s30 =	sld [smem:$0x0];
	_ =	sdelay $0x2  }
0xb8: {  	s31 =	sshll.u32 s1, $0xD;
	s1 =	sshrl.u32 s1, $0x2  }
0xb9: {  	s3 =	sand.u32 $0x4000, s31;
	s1 =	sadd.s32 s1, s30  }
0xba: {  	s0 =	sor.u32 s3, s0;
	s1 =	sshll.u32 s1, $0x11  }
0xbb: {  	s0 =	sor.u32 s1, s0  }
0xbc: {  	s0 =	sadd.s32 $0x8F2B, s0  }
0xbd: {  	[sflag:s0] =	ssyncadd.remote.s32 $0x1  }
0xbe: {  	_ =	sfence.sel $0xFFFF  }
0xbf: {  	[dreg:$0x0] =	wrdreg $0xFFFFFFFF;
	(pc) =	sbr.abs _section_cstart, $3  }
0xc0: {  	[dreg:$0x1] =	wrdreg $0xFFFFFFFF  }
0xc1: {  	_ =	task.clear_ibuf [dreg:s7], $0x2FFFF;
	_ =	strace $0x9FFFFFFF  }
0xc2: {  	(tm) =	ssettm $0x7FFFFFFF  }
0xc3: {  	_ =	shalt  }
tec
execute0_lowered:
.L_overlay_start_1:
0x0: {  	(tag) =	ssettag $0x1  }
0x1: {  	s4 =	rddreg [dreg:$0x0]  }
0x2: {  	s5 =	rddreg [dreg:$0x1]  }
0x3: {  	s0 =	rddreg [dreg:$0x2];
	s3 =	srdreg.scid  }
0x4: {  	s1 =	stileid.u32;
	s2 =	simm.s32 $0x0;
	s10 =	simm.s32 $0x200  }
0x5: {  	s11 =	simm.s32 $0x0;
	s6 =	sand.u32 $0x1, s3;
	s30 =	sshll.u32 s1, $0x1  }
0x6: {  	[smem:$0x7FF] =	sst s2;
	s3 =	sadd.s32 $0x400, s4;
	s31 =	sshll.u32 s1, $0x7  }
0x7: {  	s7 =	sor.u32 s6, s30;
	_ =	strace $0x80000047;
	s6 =	ssub.s32 $0x2, s6  }
.Ltmp0:
0x8: {  	s8 =	sshll.u32 s7, $0xD;
	s7 =	sshll.u32 s7, $0x4;
	(pc) =	sbr.rel .LBB2_1-.Ltmp0, $4  }
0x9: {  	s9 =	sshrl.u32 s6, $0x1;
	s8 =	sadd.s32 s8, s4;
	s4 =	sand.u32 $0x600, s31  }
0xa: {  	s7 =	sand.u32 $0x70, s7;
	s6 =	ssub.s32 s6, s9;
	s9 =	simm.s32 $0x3  }
0xb: {  	s4 =	sadd.s32 s5, s4;
	s5 =	sadd.s32 $0xF42A00, s8;
	s6 =	smax.u32 s6, $0x1  }
0xc: {  	s8 =	simm.s32 $0x400;
	s4 =	sadd.s32 s7, s4;
	s7 =	simm.s32 $0x80  }
.LBB2_5:
0xd: {  	s11 =	sadd.s32 $0x1, s11  }
0xe: {  	p0 =	sne.s32 s11, s6  }
.Ltmp1:
0xf: {  	_ = 	snop;
	(pc) =	sbr.rel @!p0 .LBB2_6-.Ltmp1, $4  }
0x10: {  	[hbm4b:s5+s2] =	stream.linear.scatter [tilespmem:s10], [sflag:$0x3], $0x10000, $0x38;
	[tilespmem:$0x10200] =	vst v63  }
0x11: {  	_ =	swait.ge [sflag:s9], $0x10000  }
0x12: {  	[sflag:s9] =	ssyncset.done $0x0  }
0x13: {  	[sflag:s9] =	ssyncadd.s32 $0xFFFF0000  }
.LBB2_1:
.Ltmp2:
0x14: {  	(pc) =	sbr.rel .LBB2_2-.Ltmp2, $4  }
0x15: {  	[tilespmem:s2], [sflag:$0x3] =	stream.strided.gather [hbm4b:s4+s7], $0x200, s8, s7, $0x38;
	[tilespmem:$0x10200] =	vst v63  }
0x16: {  	_ =	swait.ge [sflag:s9], $0x200  }
0x17: {  	s12 =	simm.s32 $0x0;
	[sflag:s9] =	ssyncset.done $0x0  }
0x18: {  	s13 =	simm.s32 $0x0;
	s14 =	simm.s32 $0x0;
	[sflag:s9] =	ssyncadd.s32 $0xFFFFFE00  }
.LBB2_4:
0x19: {  	s12 =	sadd.s32 $0x2000, s12  }
0x1a: {  	p0 =	sne.s32 s12, $0x42000  }
.Ltmp3:
0x1b: {  	_ = 	snop;
	(pc) =	sbr.rel @!p0 .LBB2_5-.Ltmp3, $2  }
0x1c: {  	_ =	sdelay $0x2  }
0x1d: {  	s14 =	sadd.s32 $0x1, s14;
	s13 =	sadd.s32 $0x10, s13  }
.LBB2_2:
0x1e: {  	p0 =	seq.s32 s12, $0x40000  }
0x1f: {  	v0 =	vld @!p0 [tilespmem:s13+$0x0];
	_ =	sdelay $0x4  }
0x20: {  	v0 =	vshll.u32 @!p0 v0, $0x4  }
0x21: {  	(v2sf) =	vpush @!p0 v0, $0x0;
	_ =	sdelay $0x3  }
0x22: {  	(v2sf) =	vpush @!p0 v0, $0x1;
	_ =	sdelay $0x3  }
0x23: {  	(v2sf) =	vpush @!p0 v0, $0x2;
	_ =	sdelay $0x3  }
0x24: {  	(v2sf) =	vpush @!p0 v0, $0x3;
	_ =	sdelay $0x2  }
0x25: {  	s15 =	sand.u32 @!p0 $0x1, s14;
	s18 =	spop @!p0 (v2sf)  }
0x26: {  	s17 =	sshra.s32 @!p0 s12, $0x2;
	s16 =	sadd.s32 @!p0 $0x1, s15;
	(v2sf) =	vpush @!p0 v0, $0x4;
	s18 =	sand.u32 @!p0 $0x1FFFFFF0, s18  }
0x27: {  	s19 =	sadd.s32 @!p0 $0x200, s17;
	s20 =	sadd.s32 @!p0 s3, s18;
	s18 =	simm.s32 @!p0 $0x0  }
0x28: {  	[tilespmem:s19], [sflag:s16] =	stream.linear.gather @!p0 [hbm4b:s20+s18], $0x80, $0x38;
	[tilespmem:$0x10200] =	vst v63  }
0x29: {  	s19 =	spop @!p0 (v2sf)  }
0x2a: {  	(v2sf) =	vpush @!p0 v0, $0x5;
	s19 =	sand.u32 @!p0 $0x1FFFFFF0, s19  }
0x2b: {  	s20 =	sadd.s32 @!p0 $0x280, s17;
	s19 =	sadd.s32 @!p0 s3, s19  }
0x2c: {  	[tilespmem:s20], [sflag:s16] =	stream.linear.gather @!p0 [hbm4b:s19+s18], $0x80, $0x38;
	[tilespmem:$0x10200] =	vst v63  }
0x2d: {  	s19 =	spop @!p0 (v2sf)  }
0x2e: {  	(v2sf) =	vpush @!p0 v0, $0x6;
	s19 =	sand.u32 @!p0 $0x1FFFFFF0, s19  }
0x2f: {  	s20 =	sadd.s32 @!p0 $0x300, s17;
	s19 =	sadd.s32 @!p0 s3, s19  }
0x30: {  	[tilespmem:s20], [sflag:s16] =	stream.linear.gather @!p0 [hbm4b:s19+s18], $0x80, $0x38;
	[tilespmem:$0x10200] =	vst v63  }
0x31: {  	s19 =	spop @!p0 (v2sf)  }
0x32: {  	(v2sf) =	vpush @!p0 v0, $0x7;
	s19 =	sand.u32 @!p0 $0x1FFFFFF0, s19  }
0x33: {  	s20 =	sadd.s32 @!p0 $0x380, s17;
	s19 =	sadd.s32 @!p0 s3, s19  }
0x34: {  	[tilespmem:s20], [sflag:s16] =	stream.linear.gather @!p0 [hbm4b:s19+s18], $0x80, $0x38;
	[tilespmem:$0x10200] =	vst v63  }
0x35: {  	s19 =	spop @!p0 (v2sf)  }
0x36: {  	(v2sf) =	vpush @!p0 v0, $0x8;
	s19 =	sand.u32 @!p0 $0x1FFFFFF0, s19  }
0x37: {  	s20 =	sadd.s32 @!p0 $0x400, s17;
	s19 =	sadd.s32 @!p0 s3, s19  }
0x38: {  	[tilespmem:s20], [sflag:s16] =	stream.linear.gather @!p0 [hbm4b:s19+s18], $0x80, $0x38;
	[tilespmem:$0x10200] =	vst v63  }
0x39: {  	s19 =	spop @!p0 (v2sf)  }
0x3a: {  	(v2sf) =	vpush @!p0 v0, $0x9;
	s19 =	sand.u32 @!p0 $0x1FFFFFF0, s19  }
0x3b: {  	s20 =	sadd.s32 @!p0 $0x480, s17;
	s19 =	sadd.s32 @!p0 s3, s19  }
0x3c: {  	[tilespmem:s20], [sflag:s16] =	stream.linear.gather @!p0 [hbm4b:s19+s18], $0x80, $0x38;
	[tilespmem:$0x10200] =	vst v63  }
0x3d: {  	s19 =	spop @!p0 (v2sf)  }
0x3e: {  	(v2sf) =	vpush @!p0 v0, $0xA;
	s19 =	sand.u32 @!p0 $0x1FFFFFF0, s19  }
0x3f: {  	s20 =	sadd.s32 @!p0 $0x500, s17;
	s19 =	sadd.s32 @!p0 s3, s19  }
0x40: {  	[tilespmem:s20], [sflag:s16] =	stream.linear.gather @!p0 [hbm4b:s19+s18], $0x80, $0x38;
	[tilespmem:$0x10200] =	vst v63  }
0x41: {  	s19 =	spop @!p0 (v2sf)  }
0x42: {  	(v2sf) =	vpush @!p0 v0, $0xB;
	s19 =	sand.u32 @!p0 $0x1FFFFFF0, s19  }
0x43: {  	s20 =	sadd.s32 @!p0 $0x580, s17;
	s19 =	sadd.s32 @!p0 s3, s19  }
0x44: {  	[tilespmem:s20], [sflag:s16] =	stream.linear.gather @!p0 [hbm4b:s19+s18], $0x80, $0x38;
	[tilespmem:$0x10200] =	vst v63  }
0x45: {  	s19 =	spop @!p0 (v2sf)  }
0x46: {  	(v2sf) =	vpush @!p0 v0, $0xC;
	s19 =	sand.u32 @!p0 $0x1FFFFFF0, s19  }
0x47: {  	s20 =	sadd.s32 @!p0 $0x600, s17;
	s19 =	sadd.s32 @!p0 s3, s19  }
0x48: {  	[tilespmem:s20], [sflag:s16] =	stream.linear.gather @!p0 [hbm4b:s19+s18], $0x80, $0x38;
	[tilespmem:$0x10200] =	vst v63  }
0x49: {  	s19 =	spop @!p0 (v2sf)  }
0x4a: {  	(v2sf) =	vpush @!p0 v0, $0xD;
	s19 =	sand.u32 @!p0 $0x1FFFFFF0, s19  }
0x4b: {  	s20 =	sadd.s32 @!p0 $0x680, s17;
	s19 =	sadd.s32 @!p0 s3, s19  }
0x4c: {  	[tilespmem:s20], [sflag:s16] =	stream.linear.gather @!p0 [hbm4b:s19+s18], $0x80, $0x38;
	[tilespmem:$0x10200] =	vst v63  }
0x4d: {  	s19 =	spop @!p0 (v2sf)  }
0x4e: {  	(v2sf) =	vpush @!p0 v0, $0xE;
	s19 =	sand.u32 @!p0 $0x1FFFFFF0, s19  }
0x4f: {  	s20 =	sadd.s32 @!p0 $0x700, s17;
	s19 =	sadd.s32 @!p0 s3, s19  }
0x50: {  	[tilespmem:s20], [sflag:s16] =	stream.linear.gather @!p0 [hbm4b:s19+s18], $0x80, $0x38;
	[tilespmem:$0x10200] =	vst v63  }
0x51: {  	s19 =	spop @!p0 (v2sf)  }
0x52: {  	s19 =	sand.u32 @!p0 $0x1FFFFFF0, s19  }
0x53: {  	(v2sf) =	vpush @!p0 v0, $0xF;
	s20 =	sadd.s32 @!p0 $0x780, s17;
	s19 =	sadd.s32 @!p0 s3, s19  }
0x54: {  	[tilespmem:s20], [sflag:s16] =	stream.linear.gather @!p0 [hbm4b:s19+s18], $0x80, $0x38;
	[tilespmem:$0x10200] =	vst v63  }
0x55: {  	s19 =	spop @!p0 (v2sf)  }
0x56: {  	s19 =	sand.u32 @!p0 $0x1FFFFFF0, s19  }
0x57: {  	s20 =	sadd.s32 @!p0 $0x800, s17;
	s19 =	sadd.s32 @!p0 s3, s19  }
0x58: {  	[tilespmem:s20], [sflag:s16] =	stream.linear.gather @!p0 [hbm4b:s19+s18], $0x80, $0x38;
	[tilespmem:$0x10200] =	vst v63  }
0x59: {  	s19 =	spop @!p0 (v2sf)  }
0x5a: {  	s19 =	sand.u32 @!p0 $0x1FFFFFF0, s19  }
0x5b: {  	s20 =	sadd.s32 @!p0 $0x880, s17;
	s19 =	sadd.s32 @!p0 s3, s19  }
0x5c: {  	[tilespmem:s20], [sflag:s16] =	stream.linear.gather @!p0 [hbm4b:s19+s18], $0x80, $0x38;
	[tilespmem:$0x10200] =	vst v63  }
0x5d: {  	s19 =	spop @!p0 (v2sf)  }
0x5e: {  	p1 =	seq.s32 @!p0 s12, $0x0;
	s19 =	sand.u32 @!p0 $0x1FFFFFF0, s19  }
0x5f: {  	p1 =	por p0, !p1;
	s20 =	sadd.s32 @!p0 $0x900, s17;
	s19 =	sadd.s32 @!p0 s3, s19  }
0x60: {  	[tilespmem:s20], [sflag:s16] =	stream.linear.gather @!p0 [hbm4b:s19+s18], $0x80, $0x38;
	[tilespmem:$0x10200] =	vst v63  }
.Ltmp4:
0x61: {  	_ = 	snop;
	(pc) =	sbr.rel @!p1 .LBB2_4-.Ltmp4, $4  }
0x62: {  	s19 =	spop @!p0 (v2sf)  }
0x63: {  	s19 =	sand.u32 @!p0 $0x1FFFFFF0, s19  }
0x64: {  	s17 =	sadd.s32 @!p0 $0x980, s17;
	s19 =	sadd.s32 @!p0 s3, s19  }
0x65: {  	[tilespmem:s17], [sflag:s16] =	stream.linear.gather @!p0 [hbm4b:s19+s18], $0x80, $0x38;
	[tilespmem:$0x10200] =	vst v63  }
0x66: {  	s15 =	simm.s32 @p0 $0x0  }
0x67: {  	s15 =	sxor.u32 $0x1, s15  }
0x68: {  	s15 =	sadd.s32 $0x1, s15  }
0x69: {  	_ =	swait.ge [sflag:s15], $0x80  }
0x6a: {  	[sflag:s15] =	ssyncset.done $0x0  }
0x6b: {  	[sflag:s15] =	ssyncadd.s32 $0xFFFFFF80  }
0x6c: {  	_ =	swait.ge [sflag:s15], $0x80  }
0x6d: {  	[sflag:s15] =	ssyncset.done $0x0  }
0x6e: {  	[sflag:s15] =	ssyncadd.s32 $0xFFFFFF80  }
0x6f: {  	_ =	swait.ge [sflag:s15], $0x80  }
0x70: {  	[sflag:s15] =	ssyncset.done $0x0  }
0x71: {  	[sflag:s15] =	ssyncadd.s32 $0xFFFFFF80  }
0x72: {  	_ =	swait.ge [sflag:s15], $0x80  }
0x73: {  	[sflag:s15] =	ssyncset.done $0x0  }
0x74: {  	[sflag:s15] =	ssyncadd.s32 $0xFFFFFF80  }
0x75: {  	_ =	swait.ge [sflag:s15], $0x80  }
0x76: {  	[sflag:s15] =	ssyncset.done $0x0  }
0x77: {  	[sflag:s15] =	ssyncadd.s32 $0xFFFFFF80  }
0x78: {  	_ =	swait.ge [sflag:s15], $0x80  }
0x79: {  	[sflag:s15] =	ssyncset.done $0x0  }
0x7a: {  	[sflag:s15] =	ssyncadd.s32 $0xFFFFFF80  }
0x7b: {  	_ =	swait.ge [sflag:s15], $0x80  }
0x7c: {  	[sflag:s15] =	ssyncset.done $0x0  }
0x7d: {  	[sflag:s15] =	ssyncadd.s32 $0xFFFFFF80  }
0x7e: {  	_ =	swait.ge [sflag:s15], $0x80  }
0x7f: {  	[sflag:s15] =	ssyncset.done $0x0  }
0x80: {  	[sflag:s15] =	ssyncadd.s32 $0xFFFFFF80  }
0x81: {  	_ =	swait.ge [sflag:s15], $0x80  }
0x82: {  	[sflag:s15] =	ssyncset.done $0x0  }
0x83: {  	[sflag:s15] =	ssyncadd.s32 $0xFFFFFF80  }
0x84: {  	_ =	swait.ge [sflag:s15], $0x80  }
0x85: {  	[sflag:s15] =	ssyncset.done $0x0  }
0x86: {  	[sflag:s15] =	ssyncadd.s32 $0xFFFFFF80  }
0x87: {  	_ =	swait.ge [sflag:s15], $0x80  }
0x88: {  	[sflag:s15] =	ssyncset.done $0x0  }
0x89: {  	[sflag:s15] =	ssyncadd.s32 $0xFFFFFF80  }
0x8a: {  	_ =	swait.ge [sflag:s15], $0x80  }
0x8b: {  	[sflag:s15] =	ssyncset.done $0x0  }
0x8c: {  	[sflag:s15] =	ssyncadd.s32 $0xFFFFFF80  }
0x8d: {  	_ =	swait.ge [sflag:s15], $0x80  }
0x8e: {  	[sflag:s15] =	ssyncset.done $0x0  }
0x8f: {  	[sflag:s15] =	ssyncadd.s32 $0xFFFFFF80  }
0x90: {  	_ =	swait.ge [sflag:s15], $0x80  }
0x91: {  	[sflag:s15] =	ssyncset.done $0x0  }
0x92: {  	[sflag:s15] =	ssyncadd.s32 $0xFFFFFF80  }
0x93: {  	_ =	swait.ge [sflag:s15], $0x80  }
.Ltmp5:
0x94: {  	[sflag:s15] =	ssyncset.done $0x0;
	(pc) =	sbr.rel .LBB2_4-.Ltmp5, $4  }
0x95: {  	[sflag:s15] =	ssyncadd.s32 $0xFFFFFF80  }
0x96: {  	_ =	swait.ge [sflag:s15], $0x80  }
0x97: {  	[sflag:s15] =	ssyncset.done $0x0  }
0x98: {  	[sflag:s15] =	ssyncadd.s32 $0xFFFFFF80  }
.LBB2_6:
0x99: {  	_ =	sfence.sel $0x180000  }
0x9a: {  	[bflag:$0x0] =	sbarrier.arrive $0xFFFF  }
0x9b: {  	p0 =	sne.s32 s1, $0x0;
	_ =	strace $0x90000047  }
0x9c: {  	s0 =	sadd.s32 @!p0 $0x100000, s0;
	[bflag:$0x2] =	sbarrier.arrive $0xFFFF  }
0x9d: {  	[sflag:s0] =	ssyncadd.tile.s32 @!p0 $0x1;
	_ =	shalt  }
.Lfunc_end2:
_tile_overlayer_lowered:
.L_overlay_start_2:
0x9e: {  	(tag) =	ssettag $0x2  }
0x9f: {  	s0 =	rddreg [dreg:$0x0];
	s2 =	stileid.u32  }
0xa0: {  	s1 =	rddreg [dreg:$0x1];
	p0 =	sne.s32 s2, $0x0  }
0xa1: {  	s3 =	rddreg [dreg:$0x2];
	[bflag:$0x3] =	sbarrier.arrive $0xFFFF;
	s2 =	simm.s32 @!p0 $0x1C03  }
0xa2: {  	[timem:s3], [sflag:s2] =	dma.local @!p0 [hbm:s0], s1  }
0xa3: {  	s0 =	simm.s32 @!p0 $0x3  }
0xa4: {  	_ =	swait.ge @!p0 [sflag:s0], s1  }
0xa5: {  	s1 =	ssub.s32 @!p0 $0x0, s1;
	[sflag:s0] =	ssyncset.done @!p0 $0x0  }
0xa6: {  	[sflag:s0] =	ssyncadd.s32 @!p0 s1  }
0xa7: {  	[bflag:$0x3] =	sbarrier.arrive $0xFFFF  }
0xa8: {  	_ =	shalt  }

</sc_bundles>
